<compile_context>
chip_gen: v7x
topology: tpu7x:2x2x1
jax: 0.10.2.dev20260603
libtpu: 0.0.44.dev20260713+nightly
codegen_flags: <defaults>
</compile_context>

<pallas_src>
import functools

import jax
import jax.numpy as jnp
from jax import lax
from jax.experimental import pallas as pl
from jax.experimental.pallas import tpu as pltpu
from jax.experimental.pallas import tpu_sc as plsc

NUM_CORES = 2
NUM_SUBCORES = 16
NW = NUM_CORES * NUM_SUBCORES
CHUNK = 128


@functools.partial(jax.jit, static_argnames=("n_rows", "emb"))
def _sc_gather(W, xf, *, n_rows, emb):
    rows_per_w = n_rows // NW
    chunks_per_w = rows_per_w // CHUNK
    nbuf = 10
    outer = chunks_per_w // nbuf
    mesh = plsc.VectorSubcoreMesh(core_axis_name="c", subcore_axis_name="s")

    @functools.partial(
        pl.kernel,
        mesh=mesh,
        out_type=jax.ShapeDtypeStruct((n_rows, emb), jnp.float32),
        scratch_types=[
            pltpu.VMEM((rows_per_w,), jnp.int32),
            pltpu.VMEM((nbuf, CHUNK, emb), jnp.float32),
            pltpu.SemaphoreType.DMA((nbuf,)),
            pltpu.SemaphoreType.DMA((nbuf,)),
        ],
        compiler_params=pltpu.CompilerParams(use_tc_tiling_on_sc=False),
    )
    def k(W_hbm, xf_hbm, out_hbm, idx_v, rows_v, gsem, wsem):
        wid = lax.axis_index("s") * NUM_CORES + lax.axis_index("c")
        base = wid * rows_per_w
        pltpu.sync_copy(xf_hbm.at[pl.ds(base, rows_per_w)], idx_v)

        def gather_desc(j, b):
            idx = idx_v.at[pl.ds(j * CHUNK, CHUNK)]
            return pltpu.make_async_copy(W_hbm.at[idx], rows_v.at[b], gsem.at[b])

        def wb_desc(j, b):
            dst = out_hbm.at[pl.ds(base + j * CHUNK, CHUNK)]
            return pltpu.make_async_copy(rows_v.at[b], dst, wsem.at[b])

        for b in range(nbuf):
            gather_desc(b, b).start()

        def body(t, carry):
            j0 = t * nbuf
            for b in range(nbuf):
                gather_desc(j0 + b, b).wait()
                wb_desc(j0 + b, b).start()

            @pl.when(t < outer - 1)
            def _rearm():
                for b in range(nbuf):
                    wb_desc(j0 + b, b).wait()
                    gather_desc(j0 + nbuf + b, b).start()

            return carry

        lax.fori_loop(0, outer, body, 0)
        jlast = (outer - 1) * nbuf
        for b in range(nbuf):
            wb_desc(jlast + b, b).wait()

    return k(W, xf)


def kernel(x, W):
    b, s = x.shape
    n_rows = b * s
    xf = x.reshape(n_rows).astype(jnp.int32)
    out = _sc_gather(W, xf, n_rows=n_rows, emb=W.shape[1])
    return out.reshape(b, s, W.shape[1])

# --- scband reference (transcript-rebuilt; emitter-appended) ---
"""Pipeline reference for scband-encoder-embedding-layer-58506044506530 (READ-ONLY COPY).

The authoritative reference and input builder live on the scoring server;
editing this copy changes nothing except your own understanding.
"""

import jax, jax.numpy as jnp
import numpy as np
from math import sqrt

NUM_SYMBOLS = 100000
EMB_DIM = 64
PADDING_IDX = 0
BATCH = 4096
SEQ = 50


def setup_inputs(seed: int = 0) -> dict:
    key = jax.random.key(seed)
    k1, k2 = jax.random.split(key)
    x = jax.random.randint(k1, (BATCH, SEQ), 0, NUM_SYMBOLS, dtype=jnp.int64 if jax.config.jax_enable_x64 else jnp.int32)
    std = sqrt(2.0 / (NUM_SYMBOLS + EMB_DIM))
    val = sqrt(3.0) * std
    # torch code initializes nn.Embedding then overwrites weight.data with uniform(-val, val),
    # so the padding row is NOT zero in the forward pass.
    W = jax.random.uniform(k2, (NUM_SYMBOLS, EMB_DIM), minval=-val, maxval=val, dtype=jnp.float32)
    return {"x": x, "W": W}


def reference(x, W):
    # nn.Embedding forward: pure row gather
    return jnp.take(W, x, axis=0)

if __name__ == "__main__":
    import jax
    _d = setup_inputs()
    print(jax.jit(kernel)(*tuple(_d.values())))

</pallas_src>

<mosaic_0001>
#map = affine_map<(d0, d1) -> (0, 0)>
#map1 = affine_map<(d0, d1) -> (0)>
module attributes {stable_mosaic.version = 14 : i64} {
  func.func @k(%arg0: i32, %arg1: i32, %arg2: memref<100000x64xf32, #tpu.memory_space<hbm>>, %arg3: memref<204800xi32, #tpu.memory_space<hbm>>, %arg4: memref<204800x64xf32, #tpu.memory_space<hbm>>, %arg5: memref<6400xi32, #tpu.memory_space<vmem>>, %arg6: memref<10x128x64xf32, #tpu.memory_space<vmem>>, %arg7: memref<10x!tpu.dma_semaphore, #tpu.memory_space<semaphore_mem>>, %arg8: memref<10x!tpu.dma_semaphore, #tpu.memory_space<semaphore_mem>>) attributes {dimension_semantics = [#tpu.dimension_semantics<core_parallel>, #tpu.dimension_semantics<subcore_parallel>], iteration_bounds = array<i64: 2, 16>, scalar_prefetch = 0 : i64, scratch_operands = 4 : i64, tpu.core_type = #tpu.core_type<sc_vector_subcore>, window_params = [{transform_indices = #map}, {transform_indices = #map1}, {transform_indices = #map}]} {
    %mul3A = arith.constant 2 : i32
    %mul3A_0 = arith.muli %arg1, %mul3A : i32
    %add3A = arith.addi %mul3A_0, %arg0 : i32
    %mul3A_1 = arith.constant 6400 : i32
    %mul3A_2 = arith.muli %add3A, %mul3A_1 : i32
    "tpu.region"() ({
      %run_scoped3A = tpu.sem_alloc : memref<!tpu.dma_semaphore, #tpu.memory_space<semaphore_mem>>
      %dma_start3A_316 = tpu.memref_slice %arg3[%mul3A_2] : memref<204800xi32, #tpu.memory_space<hbm>> -> memref<6400xi32, #tpu.memory_space<hbm>>
      %dma_start3A_317 = tpu.memref_slice %arg3[%mul3A_2] : memref<204800xi32, #tpu.memory_space<hbm>> -> memref<6400xi32, #tpu.memory_space<hbm>>
      tpu.enqueue_dma source(%dma_start3A_317 : memref<6400xi32, #tpu.memory_space<hbm>>) target(%arg5 : memref<6400xi32, #tpu.memory_space<vmem>>) target_semaphore(%run_scoped3A : memref<!tpu.dma_semaphore, #tpu.memory_space<semaphore_mem>>)
      %dma_wait3A_318 = tpu.memref_slice %arg3[%mul3A_2] : memref<204800xi32, #tpu.memory_space<hbm>> -> memref<6400xi32, #tpu.memory_space<hbm>>
      %dma_wait3A_319 = tpu.memref_slice %arg3[%mul3A_2] : memref<204800xi32, #tpu.memory_space<hbm>> -> memref<6400xi32, #tpu.memory_space<hbm>>
      tpu.wait_dma2 semaphore(%run_scoped3A : memref<!tpu.dma_semaphore, #tpu.memory_space<semaphore_mem>>) src(%dma_wait3A_319 : memref<6400xi32, #tpu.memory_space<hbm>>) dst(%arg5 : memref<6400xi32, #tpu.memory_space<vmem>>)
      tpu.yield
    }) : () -> ()
    %dma_start3A = arith.constant 0 : i32
    %dma_start3A_3 = arith.constant 0 : i32
    %dma_start3A_4 = arith.constant 0 : i32
    %dma_start3A_5 = arith.constant 0 : i32
    %dma_start3A_6 = tpu.memref_slice %arg6[%dma_start3A, %dma_start3A_4, %dma_start3A_5] : memref<10x128x64xf32, #tpu.memory_space<vmem>> -> memref<1x128x64xf32, #tpu.memory_space<vmem>>
    %dma_start3A_7 = tpu.memref_squeeze %dma_start3A_6 : memref<1x128x64xf32, #tpu.memory_space<vmem>> -> memref<128x64xf32, #tpu.memory_space<vmem>>
    %dma_start3A_8 = arith.constant 0 : i32
    %dma_start3A_9 = tpu.memref_slice %arg5[%dma_start3A_8] : memref<6400xi32, #tpu.memory_space<vmem>> -> memref<128xi32, #tpu.memory_space<vmem>>
    %dma_start3A_10 = arith.constant 0 : i32
    %dma_start3A_11 = arith.constant 0 : i32
    %dma_start3A_12 = tpu.memref_slice %arg2[%dma_start3A_10, %dma_start3A_11] : memref<100000x64xf32, #tpu.memory_space<hbm>> -> memref<100000x64xf32, #tpu.memory_space<hbm>>
    %dma_start3A_13 = tpu.memref_slice %arg7[%dma_start3A_3] : memref<10x!tpu.dma_semaphore, #tpu.memory_space<semaphore_mem>> -> memref<1x!tpu.dma_semaphore, #tpu.memory_space<semaphore_mem>>
    %dma_start3A_14 = tpu.memref_squeeze %dma_start3A_13 : memref<1x!tpu.dma_semaphore, #tpu.memory_space<semaphore_mem>> -> memref<!tpu.dma_semaphore, #tpu.memory_space<semaphore_mem>>
    tpu.enqueue_indirect_dma source(%dma_start3A_12 : memref<100000x64xf32, #tpu.memory_space<hbm>>) target(%dma_start3A_7 : memref<128x64xf32, #tpu.memory_space<vmem>>) offsets(%dma_start3A_9 : memref<128xi32, #tpu.memory_space<vmem>>) semaphore(%dma_start3A_14 : memref<!tpu.dma_semaphore, #tpu.memory_space<semaphore_mem>>)
    %dma_start3A_15 = arith.constant 1 : i32
    %dma_start3A_16 = arith.constant 1 : i32
    %dma_start3A_17 = arith.constant 0 : i32
    %dma_start3A_18 = arith.constant 0 : i32
    %dma_start3A_19 = tpu.memref_slice %arg6[%dma_start3A_15, %dma_start3A_17, %dma_start3A_18] : memref<10x128x64xf32, #tpu.memory_space<vmem>> -> memref<1x128x64xf32, #tpu.memory_space<vmem>>
    %dma_start3A_20 = tpu.memref_squeeze %dma_start3A_19 : memref<1x128x64xf32, #tpu.memory_space<vmem>> -> memref<128x64xf32, #tpu.memory_space<vmem>>
    %dma_start3A_21 = arith.constant 128 : i32
    %dma_start3A_22 = tpu.memref_slice %arg5[%dma_start3A_21] : memref<6400xi32, #tpu.memory_space<vmem>> -> memref<128xi32, #tpu.memory_space<vmem>>
    %dma_start3A_23 = arith.constant 0 : i32
    %dma_start3A_24 = arith.constant 0 : i32
    %dma_start3A_25 = tpu.memref_slice %arg2[%dma_start3A_23, %dma_start3A_24] : memref<100000x64xf32, #tpu.memory_space<hbm>> -> memref<100000x64xf32, #tpu.memory_space<hbm>>
    %dma_start3A_26 = tpu.memref_slice %arg7[%dma_start3A_16] : memref<10x!tpu.dma_semaphore, #tpu.memory_space<semaphore_mem>> -> memref<1x!tpu.dma_semaphore, #tpu.memory_space<semaphore_mem>>
    %dma_start3A_27 = tpu.memref_squeeze %dma_start3A_26 : memref<1x!tpu.dma_semaphore, #tpu.memory_space<semaphore_mem>> -> memref<!tpu.dma_semaphore, #tpu.memory_space<semaphore_mem>>
    tpu.enqueue_indirect_dma source(%dma_start3A_25 : memref<100000x64xf32, #tpu.memory_space<hbm>>) target(%dma_start3A_20 : memref<128x64xf32, #tpu.memory_space<vmem>>) offsets(%dma_start3A_22 : memref<128xi32, #tpu.memory_space<vmem>>) semaphore(%dma_start3A_27 : memref<!tpu.dma_semaphore, #tpu.memory_space<semaphore_mem>>)
    %dma_start3A_28 = arith.constant 2 : i32
    %dma_start3A_29 = arith.constant 2 : i32
    %dma_start3A_30 = arith.constant 0 : i32
    %dma_start3A_31 = arith.constant 0 : i32
    %dma_start3A_32 = tpu.memref_slice %arg6[%dma_start3A_28, %dma_start3A_30, %dma_start3A_31] : memref<10x128x64xf32, #tpu.memory_space<vmem>> -> memref<1x128x64xf32, #tpu.memory_space<vmem>>
    %dma_start3A_33 = tpu.memref_squeeze %dma_start3A_32 : memref<1x128x64xf32, #tpu.memory_space<vmem>> -> memref<128x64xf32, #tpu.memory_space<vmem>>
    %dma_start3A_34 = arith.constant 256 : i32
    %dma_start3A_35 = tpu.memref_slice %arg5[%dma_start3A_34] : memref<6400xi32, #tpu.memory_space<vmem>> -> memref<128xi32, #tpu.memory_space<vmem>>
    %dma_start3A_36 = arith.constant 0 : i32
    %dma_start3A_37 = arith.constant 0 : i32
    %dma_start3A_38 = tpu.memref_slice %arg2[%dma_start3A_36, %dma_start3A_37] : memref<100000x64xf32, #tpu.memory_space<hbm>> -> memref<100000x64xf32, #tpu.memory_space<hbm>>
    %dma_start3A_39 = tpu.memref_slice %arg7[%dma_start3A_29] : memref<10x!tpu.dma_semaphore, #tpu.memory_space<semaphore_mem>> -> memref<1x!tpu.dma_semaphore, #tpu.memory_space<semaphore_mem>>
    %dma_start3A_40 = tpu.memref_squeeze %dma_start3A_39 : memref<1x!tpu.dma_semaphore, #tpu.memory_space<semaphore_mem>> -> memref<!tpu.dma_semaphore, #tpu.memory_space<semaphore_mem>>
    tpu.enqueue_indirect_dma source(%dma_start3A_38 : memref<100000x64xf32, #tpu.memory_space<hbm>>) target(%dma_start3A_33 : memref<128x64xf32, #tpu.memory_space<vmem>>) offsets(%dma_start3A_35 : memref<128xi32, #tpu.memory_space<vmem>>) semaphore(%dma_start3A_40 : memref<!tpu.dma_semaphore, #tpu.memory_space<semaphore_mem>>)
    %dma_start3A_41 = arith.constant 3 : i32
    %dma_start3A_42 = arith.constant 3 : i32
    %dma_start3A_43 = arith.constant 0 : i32
    %dma_start3A_44 = arith.constant 0 : i32
    %dma_start3A_45 = tpu.memref_slice %arg6[%dma_start3A_41, %dma_start3A_43, %dma_start3A_44] : memref<10x128x64xf32, #tpu.memory_space<vmem>> -> memref<1x128x64xf32, #tpu.memory_space<vmem>>
    %dma_start3A_46 = tpu.memref_squeeze %dma_start3A_45 : memref<1x128x64xf32, #tpu.memory_space<vmem>> -> memref<128x64xf32, #tpu.memory_space<vmem>>
    %dma_start3A_47 = arith.constant 384 : i32
    %dma_start3A_48 = tpu.memref_slice %arg5[%dma_start3A_47] : memref<6400xi32, #tpu.memory_space<vmem>> -> memref<128xi32, #tpu.memory_space<vmem>>
    %dma_start3A_49 = arith.constant 0 : i32
    %dma_start3A_50 = arith.constant 0 : i32
    %dma_start3A_51 = tpu.memref_slice %arg2[%dma_start3A_49, %dma_start3A_50] : memref<100000x64xf32, #tpu.memory_space<hbm>> -> memref<100000x64xf32, #tpu.memory_space<hbm>>
    %dma_start3A_52 = tpu.memref_slice %arg7[%dma_start3A_42] : memref<10x!tpu.dma_semaphore, #tpu.memory_space<semaphore_mem>> -> memref<1x!tpu.dma_semaphore, #tpu.memory_space<semaphore_mem>>
    %dma_start3A_53 = tpu.memref_squeeze %dma_start3A_52 : memref<1x!tpu.dma_semaphore, #tpu.memory_space<semaphore_mem>> -> memref<!tpu.dma_semaphore, #tpu.memory_space<semaphore_mem>>
    tpu.enqueue_indirect_dma source(%dma_start3A_51 : memref<100000x64xf32, #tpu.memory_space<hbm>>) target(%dma_start3A_46 : memref<128x64xf32, #tpu.memory_space<vmem>>) offsets(%dma_start3A_48 : memref<128xi32, #tpu.memory_space<vmem>>) semaphore(%dma_start3A_53 : memref<!tpu.dma_semaphore, #tpu.memory_space<semaphore_mem>>)
    %dma_start3A_54 = arith.constant 4 : i32
    %dma_start3A_55 = arith.constant 4 : i32
    %dma_start3A_56 = arith.constant 0 : i32
    %dma_start3A_57 = arith.constant 0 : i32
    %dma_start3A_58 = tpu.memref_slice %arg6[%dma_start3A_54, %dma_start3A_56, %dma_start3A_57] : memref<10x128x64xf32, #tpu.memory_space<vmem>> -> memref<1x128x64xf32, #tpu.memory_space<vmem>>
    %dma_start3A_59 = tpu.memref_squeeze %dma_start3A_58 : memref<1x128x64xf32, #tpu.memory_space<vmem>> -> memref<128x64xf32, #tpu.memory_space<vmem>>
    %dma_start3A_60 = arith.constant 512 : i32
    %dma_start3A_61 = tpu.memref_slice %arg5[%dma_start3A_60] : memref<6400xi32, #tpu.memory_space<vmem>> -> memref<128xi32, #tpu.memory_space<vmem>>
    %dma_start3A_62 = arith.constant 0 : i32
    %dma_start3A_63 = arith.constant 0 : i32
    %dma_start3A_64 = tpu.memref_slice %arg2[%dma_start3A_62, %dma_start3A_63] : memref<100000x64xf32, #tpu.memory_space<hbm>> -> memref<100000x64xf32, #tpu.memory_space<hbm>>
    %dma_start3A_65 = tpu.memref_slice %arg7[%dma_start3A_55] : memref<10x!tpu.dma_semaphore, #tpu.memory_space<semaphore_mem>> -> memref<1x!tpu.dma_semaphore, #tpu.memory_space<semaphore_mem>>
    %dma_start3A_66 = tpu.memref_squeeze %dma_start3A_65 : memref<1x!tpu.dma_semaphore, #tpu.memory_space<semaphore_mem>> -> memref<!tpu.dma_semaphore, #tpu.memory_space<semaphore_mem>>
    tpu.enqueue_indirect_dma source(%dma_start3A_64 : memref<100000x64xf32, #tpu.memory_space<hbm>>) target(%dma_start3A_59 : memref<128x64xf32, #tpu.memory_space<vmem>>) offsets(%dma_start3A_61 : memref<128xi32, #tpu.memory_space<vmem>>) semaphore(%dma_start3A_66 : memref<!tpu.dma_semaphore, #tpu.memory_space<semaphore_mem>>)
    %dma_start3A_67 = arith.constant 5 : i32
    %dma_start3A_68 = arith.constant 5 : i32
    %dma_start3A_69 = arith.constant 0 : i32
    %dma_start3A_70 = arith.constant 0 : i32
    %dma_start3A_71 = tpu.memref_slice %arg6[%dma_start3A_67, %dma_start3A_69, %dma_start3A_70] : memref<10x128x64xf32, #tpu.memory_space<vmem>> -> memref<1x128x64xf32, #tpu.memory_space<vmem>>
    %dma_start3A_72 = tpu.memref_squeeze %dma_start3A_71 : memref<1x128x64xf32, #tpu.memory_space<vmem>> -> memref<128x64xf32, #tpu.memory_space<vmem>>
    %dma_start3A_73 = arith.constant 640 : i32
    %dma_start3A_74 = tpu.memref_slice %arg5[%dma_start3A_73] : memref<6400xi32, #tpu.memory_space<vmem>> -> memref<128xi32, #tpu.memory_space<vmem>>
    %dma_start3A_75 = arith.constant 0 : i32
    %dma_start3A_76 = arith.constant 0 : i32
    %dma_start3A_77 = tpu.memref_slice %arg2[%dma_start3A_75, %dma_start3A_76] : memref<100000x64xf32, #tpu.memory_space<hbm>> -> memref<100000x64xf32, #tpu.memory_space<hbm>>
    %dma_start3A_78 = tpu.memref_slice %arg7[%dma_start3A_68] : memref<10x!tpu.dma_semaphore, #tpu.memory_space<semaphore_mem>> -> memref<1x!tpu.dma_semaphore, #tpu.memory_space<semaphore_mem>>
    %dma_start3A_79 = tpu.memref_squeeze %dma_start3A_78 : memref<1x!tpu.dma_semaphore, #tpu.memory_space<semaphore_mem>> -> memref<!tpu.dma_semaphore, #tpu.memory_space<semaphore_mem>>
    tpu.enqueue_indirect_dma source(%dma_start3A_77 : memref<100000x64xf32, #tpu.memory_space<hbm>>) target(%dma_start3A_72 : memref<128x64xf32, #tpu.memory_space<vmem>>) offsets(%dma_start3A_74 : memref<128xi32, #tpu.memory_space<vmem>>) semaphore(%dma_start3A_79 : memref<!tpu.dma_semaphore, #tpu.memory_space<semaphore_mem>>)
    %dma_start3A_80 = arith.constant 6 : i32
    %dma_start3A_81 = arith.constant 6 : i32
    %dma_start3A_82 = arith.constant 0 : i32
    %dma_start3A_83 = arith.constant 0 : i32
    %dma_start3A_84 = tpu.memref_slice %arg6[%dma_start3A_80, %dma_start3A_82, %dma_start3A_83] : memref<10x128x64xf32, #tpu.memory_space<vmem>> -> memref<1x128x64xf32, #tpu.memory_space<vmem>>
    %dma_start3A_85 = tpu.memref_squeeze %dma_start3A_84 : memref<1x128x64xf32, #tpu.memory_space<vmem>> -> memref<128x64xf32, #tpu.memory_space<vmem>>
    %dma_start3A_86 = arith.constant 768 : i32
    %dma_start3A_87 = tpu.memref_slice %arg5[%dma_start3A_86] : memref<6400xi32, #tpu.memory_space<vmem>> -> memref<128xi32, #tpu.memory_space<vmem>>
    %dma_start3A_88 = arith.constant 0 : i32
    %dma_start3A_89 = arith.constant 0 : i32
    %dma_start3A_90 = tpu.memref_slice %arg2[%dma_start3A_88, %dma_start3A_89] : memref<100000x64xf32, #tpu.memory_space<hbm>> -> memref<100000x64xf32, #tpu.memory_space<hbm>>
    %dma_start3A_91 = tpu.memref_slice %arg7[%dma_start3A_81] : memref<10x!tpu.dma_semaphore, #tpu.memory_space<semaphore_mem>> -> memref<1x!tpu.dma_semaphore, #tpu.memory_space<semaphore_mem>>
    %dma_start3A_92 = tpu.memref_squeeze %dma_start3A_91 : memref<1x!tpu.dma_semaphore, #tpu.memory_space<semaphore_mem>> -> memref<!tpu.dma_semaphore, #tpu.memory_space<semaphore_mem>>
    tpu.enqueue_indirect_dma source(%dma_start3A_90 : memref<100000x64xf32, #tpu.memory_space<hbm>>) target(%dma_start3A_85 : memref<128x64xf32, #tpu.memory_space<vmem>>) offsets(%dma_start3A_87 : memref<128xi32, #tpu.memory_space<vmem>>) semaphore(%dma_start3A_92 : memref<!tpu.dma_semaphore, #tpu.memory_space<semaphore_mem>>)
    %dma_start3A_93 = arith.constant 7 : i32
    %dma_start3A_94 = arith.constant 7 : i32
    %dma_start3A_95 = arith.constant 0 : i32
    %dma_start3A_96 = arith.constant 0 : i32
    %dma_start3A_97 = tpu.memref_slice %arg6[%dma_start3A_93, %dma_start3A_95, %dma_start3A_96] : memref<10x128x64xf32, #tpu.memory_space<vmem>> -> memref<1x128x64xf32, #tpu.memory_space<vmem>>
    %dma_start3A_98 = tpu.memref_squeeze %dma_start3A_97 : memref<1x128x64xf32, #tpu.memory_space<vmem>> -> memref<128x64xf32, #tpu.memory_space<vmem>>
    %dma_start3A_99 = arith.constant 896 : i32
    %dma_start3A_100 = tpu.memref_slice %arg5[%dma_start3A_99] : memref<6400xi32, #tpu.memory_space<vmem>> -> memref<128xi32, #tpu.memory_space<vmem>>
    %dma_start3A_101 = arith.constant 0 : i32
    %dma_start3A_102 = arith.constant 0 : i32
    %dma_start3A_103 = tpu.memref_slice %arg2[%dma_start3A_101, %dma_start3A_102] : memref<100000x64xf32, #tpu.memory_space<hbm>> -> memref<100000x64xf32, #tpu.memory_space<hbm>>
    %dma_start3A_104 = tpu.memref_slice %arg7[%dma_start3A_94] : memref<10x!tpu.dma_semaphore, #tpu.memory_space<semaphore_mem>> -> memref<1x!tpu.dma_semaphore, #tpu.memory_space<semaphore_mem>>
    %dma_start3A_105 = tpu.memref_squeeze %dma_start3A_104 : memref<1x!tpu.dma_semaphore, #tpu.memory_space<semaphore_mem>> -> memref<!tpu.dma_semaphore, #tpu.memory_space<semaphore_mem>>
    tpu.enqueue_indirect_dma source(%dma_start3A_103 : memref<100000x64xf32, #tpu.memory_space<hbm>>) target(%dma_start3A_98 : memref<128x64xf32, #tpu.memory_space<vmem>>) offsets(%dma_start3A_100 : memref<128xi32, #tpu.memory_space<vmem>>) semaphore(%dma_start3A_105 : memref<!tpu.dma_semaphore, #tpu.memory_space<semaphore_mem>>)
    %dma_start3A_106 = arith.constant 8 : i32
    %dma_start3A_107 = arith.constant 8 : i32
    %dma_start3A_108 = arith.constant 0 : i32
    %dma_start3A_109 = arith.constant 0 : i32
    %dma_start3A_110 = tpu.memref_slice %arg6[%dma_start3A_106, %dma_start3A_108, %dma_start3A_109] : memref<10x128x64xf32, #tpu.memory_space<vmem>> -> memref<1x128x64xf32, #tpu.memory_space<vmem>>
    %dma_start3A_111 = tpu.memref_squeeze %dma_start3A_110 : memref<1x128x64xf32, #tpu.memory_space<vmem>> -> memref<128x64xf32, #tpu.memory_space<vmem>>
    %dma_start3A_112 = arith.constant 1024 : i32
    %dma_start3A_113 = tpu.memref_slice %arg5[%dma_start3A_112] : memref<6400xi32, #tpu.memory_space<vmem>> -> memref<128xi32, #tpu.memory_space<vmem>>
    %dma_start3A_114 = arith.constant 0 : i32
    %dma_start3A_115 = arith.constant 0 : i32
    %dma_start3A_116 = tpu.memref_slice %arg2[%dma_start3A_114, %dma_start3A_115] : memref<100000x64xf32, #tpu.memory_space<hbm>> -> memref<100000x64xf32, #tpu.memory_space<hbm>>
    %dma_start3A_117 = tpu.memref_slice %arg7[%dma_start3A_107] : memref<10x!tpu.dma_semaphore, #tpu.memory_space<semaphore_mem>> -> memref<1x!tpu.dma_semaphore, #tpu.memory_space<semaphore_mem>>
    %dma_start3A_118 = tpu.memref_squeeze %dma_start3A_117 : memref<1x!tpu.dma_semaphore, #tpu.memory_space<semaphore_mem>> -> memref<!tpu.dma_semaphore, #tpu.memory_space<semaphore_mem>>
    tpu.enqueue_indirect_dma source(%dma_start3A_116 : memref<100000x64xf32, #tpu.memory_space<hbm>>) target(%dma_start3A_111 : memref<128x64xf32, #tpu.memory_space<vmem>>) offsets(%dma_start3A_113 : memref<128xi32, #tpu.memory_space<vmem>>) semaphore(%dma_start3A_118 : memref<!tpu.dma_semaphore, #tpu.memory_space<semaphore_mem>>)
    %dma_start3A_119 = arith.constant 9 : i32
    %dma_start3A_120 = arith.constant 9 : i32
    %dma_start3A_121 = arith.constant 0 : i32
    %dma_start3A_122 = arith.constant 0 : i32
    %dma_start3A_123 = tpu.memref_slice %arg6[%dma_start3A_119, %dma_start3A_121, %dma_start3A_122] : memref<10x128x64xf32, #tpu.memory_space<vmem>> -> memref<1x128x64xf32, #tpu.memory_space<vmem>>
    %dma_start3A_124 = tpu.memref_squeeze %dma_start3A_123 : memref<1x128x64xf32, #tpu.memory_space<vmem>> -> memref<128x64xf32, #tpu.memory_space<vmem>>
    %dma_start3A_125 = arith.constant 1152 : i32
    %dma_start3A_126 = tpu.memref_slice %arg5[%dma_start3A_125] : memref<6400xi32, #tpu.memory_space<vmem>> -> memref<128xi32, #tpu.memory_space<vmem>>
    %dma_start3A_127 = arith.constant 0 : i32
    %dma_start3A_128 = arith.constant 0 : i32
    %dma_start3A_129 = tpu.memref_slice %arg2[%dma_start3A_127, %dma_start3A_128] : memref<100000x64xf32, #tpu.memory_space<hbm>> -> memref<100000x64xf32, #tpu.memory_space<hbm>>
    %dma_start3A_130 = tpu.memref_slice %arg7[%dma_start3A_120] : memref<10x!tpu.dma_semaphore, #tpu.memory_space<semaphore_mem>> -> memref<1x!tpu.dma_semaphore, #tpu.memory_space<semaphore_mem>>
    %dma_start3A_131 = tpu.memref_squeeze %dma_start3A_130 : memref<1x!tpu.dma_semaphore, #tpu.memory_space<semaphore_mem>> -> memref<!tpu.dma_semaphore, #tpu.memory_space<semaphore_mem>>
    tpu.enqueue_indirect_dma source(%dma_start3A_129 : memref<100000x64xf32, #tpu.memory_space<hbm>>) target(%dma_start3A_124 : memref<128x64xf32, #tpu.memory_space<vmem>>) offsets(%dma_start3A_126 : memref<128xi32, #tpu.memory_space<vmem>>) semaphore(%dma_start3A_131 : memref<!tpu.dma_semaphore, #tpu.memory_space<semaphore_mem>>)
    %scan3A = arith.constant 0 : i32
    %scan3A_132 = arith.constant 0 : i32
    %scan3A_133 = arith.constant 5 : i32
    %scan3A_134 = arith.addi %scan3A_132, %scan3A_133 : i32
    %scan3A_135 = arith.constant 1 : i32
    scf.for %scan3A_316 = %scan3A_132 to %scan3A_134 step %scan3A_135  : i32 {
      %mul3A_317 = arith.constant 10 : i32
      %mul3A_318 = arith.muli %scan3A_316, %mul3A_317 : i32
      %add3A_319 = arith.constant 0 : i32
      %add3A_320 = arith.addi %mul3A_318, %add3A_319 : i32
      %mul3A_321 = arith.constant 128 : i32
      %mul3A_322 = arith.muli %add3A_320, %mul3A_321 : i32
      %dma_wait3A_323 = arith.constant 0 : i32
      %dma_wait3A_324 = arith.constant 0 : i32
      %dma_wait3A_325 = arith.constant 0 : i32
      %dma_wait3A_326 = arith.constant 0 : i32
      %dma_wait3A_327 = tpu.memref_slice %arg6[%dma_wait3A_323, %dma_wait3A_325, %dma_wait3A_326] : memref<10x128x64xf32, #tpu.memory_space<vmem>> -> memref<1x128x64xf32, #tpu.memory_space<vmem>>
      %dma_wait3A_328 = tpu.memref_squeeze %dma_wait3A_327 : memref<1x128x64xf32, #tpu.memory_space<vmem>> -> memref<128x64xf32, #tpu.memory_space<vmem>>
      %dma_wait3A_329 = tpu.memref_slice %arg5[%mul3A_322] : memref<6400xi32, #tpu.memory_space<vmem>> -> memref<128xi32, #tpu.memory_space<vmem>>
      %dma_wait3A_330 = arith.constant 0 : i32
      %dma_wait3A_331 = arith.constant 0 : i32
      %dma_wait3A_332 = tpu.memref_slice %arg2[%dma_wait3A_330, %dma_wait3A_331] : memref<100000x64xf32, #tpu.memory_space<hbm>> -> memref<100000x64xf32, #tpu.memory_space<hbm>>
      %dma_wait3A_333 = tpu.memref_slice %arg7[%dma_wait3A_324] : memref<10x!tpu.dma_semaphore, #tpu.memory_space<semaphore_mem>> -> memref<1x!tpu.dma_semaphore, #tpu.memory_space<semaphore_mem>>
      %dma_wait3A_334 = tpu.memref_squeeze %dma_wait3A_333 : memref<1x!tpu.dma_semaphore, #tpu.memory_space<semaphore_mem>> -> memref<!tpu.dma_semaphore, #tpu.memory_space<semaphore_mem>>
      tpu.wait_indirect_dma semaphore(%dma_wait3A_334 : memref<!tpu.dma_semaphore, #tpu.memory_space<semaphore_mem>>) src(%dma_wait3A_332 : memref<100000x64xf32, #tpu.memory_space<hbm>>) dst(%dma_wait3A_328 : memref<128x64xf32, #tpu.memory_space<vmem>>)
      %add3A_335 = arith.constant 0 : i32
      %add3A_336 = arith.addi %mul3A_318, %add3A_335 : i32
      %mul3A_337 = arith.constant 128 : i32
      %mul3A_338 = arith.muli %add3A_336, %mul3A_337 : i32
      %add3A_339 = arith.addi %mul3A_2, %mul3A_338 : i32
      %dma_start3A_340 = arith.constant 0 : i32
      %dma_start3A_341 = arith.constant 0 : i32
      %dma_start3A_342 = arith.constant 0 : i32
      %dma_start3A_343 = arith.constant 0 : i32
      %dma_start3A_344 = tpu.memref_slice %arg6[%dma_start3A_340, %dma_start3A_342, %dma_start3A_343] : memref<10x128x64xf32, #tpu.memory_space<vmem>> -> memref<1x128x64xf32, #tpu.memory_space<vmem>>
      %dma_start3A_345 = tpu.memref_squeeze %dma_start3A_344 : memref<1x128x64xf32, #tpu.memory_space<vmem>> -> memref<128x64xf32, #tpu.memory_space<vmem>>
      %dma_start3A_346 = arith.constant 0 : i32
      %dma_start3A_347 = tpu.memref_slice %arg4[%add3A_339, %dma_start3A_346] : memref<204800x64xf32, #tpu.memory_space<hbm>> -> memref<128x64xf32, #tpu.memory_space<hbm>>
      %dma_start3A_348 = tpu.memref_slice %arg8[%dma_start3A_341] : memref<10x!tpu.dma_semaphore, #tpu.memory_space<semaphore_mem>> -> memref<1x!tpu.dma_semaphore, #tpu.memory_space<semaphore_mem>>
      %dma_start3A_349 = tpu.memref_squeeze %dma_start3A_348 : memref<1x!tpu.dma_semaphore, #tpu.memory_space<semaphore_mem>> -> memref<!tpu.dma_semaphore, #tpu.memory_space<semaphore_mem>>
      %dma_start3A_350 = arith.constant 0 : i32
      %dma_start3A_351 = tpu.memref_slice %arg4[%add3A_339, %dma_start3A_350] : memref<204800x64xf32, #tpu.memory_space<hbm>> -> memref<128x64xf32, #tpu.memory_space<hbm>>
      %dma_start3A_352 = arith.constant 0 : i32
      %dma_start3A_353 = arith.constant 0 : i32
      %dma_start3A_354 = tpu.memref_slice %arg6[%dma_start3A_340, %dma_start3A_352, %dma_start3A_353] : memref<10x128x64xf32, #tpu.memory_space<vmem>> -> memref<1x128x64xf32, #tpu.memory_space<vmem>>
      %dma_start3A_355 = tpu.memref_squeeze %dma_start3A_354 : memref<1x128x64xf32, #tpu.memory_space<vmem>> -> memref<128x64xf32, #tpu.memory_space<vmem>>
      tpu.enqueue_dma source(%dma_start3A_355 : memref<128x64xf32, #tpu.memory_space<vmem>>) target(%dma_start3A_351 : memref<128x64xf32, #tpu.memory_space<hbm>>) target_semaphore(%dma_start3A_349 : memref<!tpu.dma_semaphore, #tpu.memory_space<semaphore_mem>>)
      %add3A_356 = arith.constant 1 : i32
      %add3A_357 = arith.addi %mul3A_318, %add3A_356 : i32
      %mul3A_358 = arith.constant 128 : i32
      %mul3A_359 = arith.muli %add3A_357, %mul3A_358 : i32
      %dma_wait3A_360 = arith.constant 1 : i32
      %dma_wait3A_361 = arith.constant 1 : i32
      %dma_wait3A_362 = arith.constant 0 : i32
      %dma_wait3A_363 = arith.constant 0 : i32
      %dma_wait3A_364 = tpu.memref_slice %arg6[%dma_wait3A_360, %dma_wait3A_362, %dma_wait3A_363] : memref<10x128x64xf32, #tpu.memory_space<vmem>> -> memref<1x128x64xf32, #tpu.memory_space<vmem>>
      %dma_wait3A_365 = tpu.memref_squeeze %dma_wait3A_364 : memref<1x128x64xf32, #tpu.memory_space<vmem>> -> memref<128x64xf32, #tpu.memory_space<vmem>>
      %dma_wait3A_366 = tpu.memref_slice %arg5[%mul3A_359] : memref<6400xi32, #tpu.memory_space<vmem>> -> memref<128xi32, #tpu.memory_space<vmem>>
      %dma_wait3A_367 = arith.constant 0 : i32
      %dma_wait3A_368 = arith.constant 0 : i32
      %dma_wait3A_369 = tpu.memref_slice %arg2[%dma_wait3A_367, %dma_wait3A_368] : memref<100000x64xf32, #tpu.memory_space<hbm>> -> memref<100000x64xf32, #tpu.memory_space<hbm>>
      %dma_wait3A_370 = tpu.memref_slice %arg7[%dma_wait3A_361] : memref<10x!tpu.dma_semaphore, #tpu.memory_space<semaphore_mem>> -> memref<1x!tpu.dma_semaphore, #tpu.memory_space<semaphore_mem>>
      %dma_wait3A_371 = tpu.memref_squeeze %dma_wait3A_370 : memref<1x!tpu.dma_semaphore, #tpu.memory_space<semaphore_mem>> -> memref<!tpu.dma_semaphore, #tpu.memory_space<semaphore_mem>>
      tpu.wait_indirect_dma semaphore(%dma_wait3A_371 : memref<!tpu.dma_semaphore, #tpu.memory_space<semaphore_mem>>) src(%dma_wait3A_369 : memref<100000x64xf32, #tpu.memory_space<hbm>>) dst(%dma_wait3A_365 : memref<128x64xf32, #tpu.memory_space<vmem>>)
      %add3A_372 = arith.constant 1 : i32
      %add3A_373 = arith.addi %mul3A_318, %add3A_372 : i32
      %mul3A_374 = arith.constant 128 : i32
      %mul3A_375 = arith.muli %add3A_373, %mul3A_374 : i32
      %add3A_376 = arith.addi %mul3A_2, %mul3A_375 : i32
      %dma_start3A_377 = arith.constant 1 : i32
      %dma_start3A_378 = arith.constant 1 : i32
      %dma_start3A_379 = arith.constant 0 : i32
      %dma_start3A_380 = arith.constant 0 : i32
      %dma_start3A_381 = tpu.memref_slice %arg6[%dma_start3A_377, %dma_start3A_379, %dma_start3A_380] : memref<10x128x64xf32, #tpu.memory_space<vmem>> -> memref<1x128x64xf32, #tpu.memory_space<vmem>>
      %dma_start3A_382 = tpu.memref_squeeze %dma_start3A_381 : memref<1x128x64xf32, #tpu.memory_space<vmem>> -> memref<128x64xf32, #tpu.memory_space<vmem>>
      %dma_start3A_383 = arith.constant 0 : i32
      %dma_start3A_384 = tpu.memref_slice %arg4[%add3A_376, %dma_start3A_383] : memref<204800x64xf32, #tpu.memory_space<hbm>> -> memref<128x64xf32, #tpu.memory_space<hbm>>
      %dma_start3A_385 = tpu.memref_slice %arg8[%dma_start3A_378] : memref<10x!tpu.dma_semaphore, #tpu.memory_space<semaphore_mem>> -> memref<1x!tpu.dma_semaphore, #tpu.memory_space<semaphore_mem>>
      %dma_start3A_386 = tpu.memref_squeeze %dma_start3A_385 : memref<1x!tpu.dma_semaphore, #tpu.memory_space<semaphore_mem>> -> memref<!tpu.dma_semaphore, #tpu.memory_space<semaphore_mem>>
      %dma_start3A_387 = arith.constant 0 : i32
      %dma_start3A_388 = tpu.memref_slice %arg4[%add3A_376, %dma_start3A_387] : memref<204800x64xf32, #tpu.memory_space<hbm>> -> memref<128x64xf32, #tpu.memory_space<hbm>>
      %dma_start3A_389 = arith.constant 0 : i32
      %dma_start3A_390 = arith.constant 0 : i32
      %dma_start3A_391 = tpu.memref_slice %arg6[%dma_start3A_377, %dma_start3A_389, %dma_start3A_390] : memref<10x128x64xf32, #tpu.memory_space<vmem>> -> memref<1x128x64xf32, #tpu.memory_space<vmem>>
      %dma_start3A_392 = tpu.memref_squeeze %dma_start3A_391 : memref<1x128x64xf32, #tpu.memory_space<vmem>> -> memref<128x64xf32, #tpu.memory_space<vmem>>
      tpu.enqueue_dma source(%dma_start3A_392 : memref<128x64xf32, #tpu.memory_space<vmem>>) target(%dma_start3A_388 : memref<128x64xf32, #tpu.memory_space<hbm>>) target_semaphore(%dma_start3A_386 : memref<!tpu.dma_semaphore, #tpu.memory_space<semaphore_mem>>)
      %add3A_393 = arith.constant 2 : i32
      %add3A_394 = arith.addi %mul3A_318, %add3A_393 : i32
      %mul3A_395 = arith.constant 128 : i32
      %mul3A_396 = arith.muli %add3A_394, %mul3A_395 : i32
      %dma_wait3A_397 = arith.constant 2 : i32
      %dma_wait3A_398 = arith.constant 2 : i32
      %dma_wait3A_399 = arith.constant 0 : i32
      %dma_wait3A_400 = arith.constant 0 : i32
      %dma_wait3A_401 = tpu.memref_slice %arg6[%dma_wait3A_397, %dma_wait3A_399, %dma_wait3A_400] : memref<10x128x64xf32, #tpu.memory_space<vmem>> -> memref<1x128x64xf32, #tpu.memory_space<vmem>>
      %dma_wait3A_402 = tpu.memref_squeeze %dma_wait3A_401 : memref<1x128x64xf32, #tpu.memory_space<vmem>> -> memref<128x64xf32, #tpu.memory_space<vmem>>
      %dma_wait3A_403 = tpu.memref_slice %arg5[%mul3A_396] : memref<6400xi32, #tpu.memory_space<vmem>> -> memref<128xi32, #tpu.memory_space<vmem>>
      %dma_wait3A_404 = arith.constant 0 : i32
      %dma_wait3A_405 = arith.constant 0 : i32
      %dma_wait3A_406 = tpu.memref_slice %arg2[%dma_wait3A_404, %dma_wait3A_405] : memref<100000x64xf32, #tpu.memory_space<hbm>> -> memref<100000x64xf32, #tpu.memory_space<hbm>>
      %dma_wait3A_407 = tpu.memref_slice %arg7[%dma_wait3A_398] : memref<10x!tpu.dma_semaphore, #tpu.memory_space<semaphore_mem>> -> memref<1x!tpu.dma_semaphore, #tpu.memory_space<semaphore_mem>>
      %dma_wait3A_408 = tpu.memref_squeeze %dma_wait3A_407 : memref<1x!tpu.dma_semaphore, #tpu.memory_space<semaphore_mem>> -> memref<!tpu.dma_semaphore, #tpu.memory_space<semaphore_mem>>
      tpu.wait_indirect_dma semaphore(%dma_wait3A_408 : memref<!tpu.dma_semaphore, #tpu.memory_space<semaphore_mem>>) src(%dma_wait3A_406 : memref<100000x64xf32, #tpu.memory_space<hbm>>) dst(%dma_wait3A_402 : memref<128x64xf32, #tpu.memory_space<vmem>>)
      %add3A_409 = arith.constant 2 : i32
      %add3A_410 = arith.addi %mul3A_318, %add3A_409 : i32
      %mul3A_411 = arith.constant 128 : i32
      %mul3A_412 = arith.muli %add3A_410, %mul3A_411 : i32
      %add3A_413 = arith.addi %mul3A_2, %mul3A_412 : i32
      %dma_start3A_414 = arith.constant 2 : i32
      %dma_start3A_415 = arith.constant 2 : i32
      %dma_start3A_416 = arith.constant 0 : i32
      %dma_start3A_417 = arith.constant 0 : i32
      %dma_start3A_418 = tpu.memref_slice %arg6[%dma_start3A_414, %dma_start3A_416, %dma_start3A_417] : memref<10x128x64xf32, #tpu.memory_space<vmem>> -> memref<1x128x64xf32, #tpu.memory_space<vmem>>
      %dma_start3A_419 = tpu.memref_squeeze %dma_start3A_418 : memref<1x128x64xf32, #tpu.memory_space<vmem>> -> memref<128x64xf32, #tpu.memory_space<vmem>>
      %dma_start3A_420 = arith.constant 0 : i32
      %dma_start3A_421 = tpu.memref_slice %arg4[%add3A_413, %dma_start3A_420] : memref<204800x64xf32, #tpu.memory_space<hbm>> -> memref<128x64xf32, #tpu.memory_space<hbm>>
      %dma_start3A_422 = tpu.memref_slice %arg8[%dma_start3A_415] : memref<10x!tpu.dma_semaphore, #tpu.memory_space<semaphore_mem>> -> memref<1x!tpu.dma_semaphore, #tpu.memory_space<semaphore_mem>>
      %dma_start3A_423 = tpu.memref_squeeze %dma_start3A_422 : memref<1x!tpu.dma_semaphore, #tpu.memory_space<semaphore_mem>> -> memref<!tpu.dma_semaphore, #tpu.memory_space<semaphore_mem>>
      %dma_start3A_424 = arith.constant 0 : i32
      %dma_start3A_425 = tpu.memref_slice %arg4[%add3A_413, %dma_start3A_424] : memref<204800x64xf32, #tpu.memory_space<hbm>> -> memref<128x64xf32, #tpu.memory_space<hbm>>
      %dma_start3A_426 = arith.constant 0 : i32
      %dma_start3A_427 = arith.constant 0 : i32
      %dma_start3A_428 = tpu.memref_slice %arg6[%dma_start3A_414, %dma_start3A_426, %dma_start3A_427] : memref<10x128x64xf32, #tpu.memory_space<vmem>> -> memref<1x128x64xf32, #tpu.memory_space<vmem>>
      %dma_start3A_429 = tpu.memref_squeeze %dma_start3A_428 : memref<1x128x64xf32, #tpu.memory_space<vmem>> -> memref<128x64xf32, #tpu.memory_space<vmem>>
      tpu.enqueue_dma source(%dma_start3A_429 : memref<128x64xf32, #tpu.memory_space<vmem>>) target(%dma_start3A_425 : memref<128x64xf32, #tpu.memory_space<hbm>>) target_semaphore(%dma_start3A_423 : memref<!tpu.dma_semaphore, #tpu.memory_space<semaphore_mem>>)
      %add3A_430 = arith.constant 3 : i32
      %add3A_431 = arith.addi %mul3A_318, %add3A_430 : i32
      %mul3A_432 = arith.constant 128 : i32
      %mul3A_433 = arith.muli %add3A_431, %mul3A_432 : i32
      %dma_wait3A_434 = arith.constant 3 : i32
      %dma_wait3A_435 = arith.constant 3 : i32
      %dma_wait3A_436 = arith.constant 0 : i32
      %dma_wait3A_437 = arith.constant 0 : i32
      %dma_wait3A_438 = tpu.memref_slice %arg6[%dma_wait3A_434, %dma_wait3A_436, %dma_wait3A_437] : memref<10x128x64xf32, #tpu.memory_space<vmem>> -> memref<1x128x64xf32, #tpu.memory_space<vmem>>
      %dma_wait3A_439 = tpu.memref_squeeze %dma_wait3A_438 : memref<1x128x64xf32, #tpu.memory_space<vmem>> -> memref<128x64xf32, #tpu.memory_space<vmem>>
      %dma_wait3A_440 = tpu.memref_slice %arg5[%mul3A_433] : memref<6400xi32, #tpu.memory_space<vmem>> -> memref<128xi32, #tpu.memory_space<vmem>>
      %dma_wait3A_441 = arith.constant 0 : i32
      %dma_wait3A_442 = arith.constant 0 : i32
      %dma_wait3A_443 = tpu.memref_slice %arg2[%dma_wait3A_441, %dma_wait3A_442] : memref<100000x64xf32, #tpu.memory_space<hbm>> -> memref<100000x64xf32, #tpu.memory_space<hbm>>
      %dma_wait3A_444 = tpu.memref_slice %arg7[%dma_wait3A_435] : memref<10x!tpu.dma_semaphore, #tpu.memory_space<semaphore_mem>> -> memref<1x!tpu.dma_semaphore, #tpu.memory_space<semaphore_mem>>
      %dma_wait3A_445 = tpu.memref_squeeze %dma_wait3A_444 : memref<1x!tpu.dma_semaphore, #tpu.memory_space<semaphore_mem>> -> memref<!tpu.dma_semaphore, #tpu.memory_space<semaphore_mem>>
      tpu.wait_indirect_dma semaphore(%dma_wait3A_445 : memref<!tpu.dma_semaphore, #tpu.memory_space<semaphore_mem>>) src(%dma_wait3A_443 : memref<100000x64xf32, #tpu.memory_space<hbm>>) dst(%dma_wait3A_439 : memref<128x64xf32, #tpu.memory_space<vmem>>)
      %add3A_446 = arith.constant 3 : i32
      %add3A_447 = arith.addi %mul3A_318, %add3A_446 : i32
      %mul3A_448 = arith.constant 128 : i32
      %mul3A_449 = arith.muli %add3A_447, %mul3A_448 : i32
      %add3A_450 = arith.addi %mul3A_2, %mul3A_449 : i32
      %dma_start3A_451 = arith.constant 3 : i32
      %dma_start3A_452 = arith.constant 3 : i32
      %dma_start3A_453 = arith.constant 0 : i32
      %dma_start3A_454 = arith.constant 0 : i32
      %dma_start3A_455 = tpu.memref_slice %arg6[%dma_start3A_451, %dma_start3A_453, %dma_start3A_454] : memref<10x128x64xf32, #tpu.memory_space<vmem>> -> memref<1x128x64xf32, #tpu.memory_space<vmem>>
      %dma_start3A_456 = tpu.memref_squeeze %dma_start3A_455 : memref<1x128x64xf32, #tpu.memory_space<vmem>> -> memref<128x64xf32, #tpu.memory_space<vmem>>
      %dma_start3A_457 = arith.constant 0 : i32
      %dma_start3A_458 = tpu.memref_slice %arg4[%add3A_450, %dma_start3A_457] : memref<204800x64xf32, #tpu.memory_space<hbm>> -> memref<128x64xf32, #tpu.memory_space<hbm>>
      %dma_start3A_459 = tpu.memref_slice %arg8[%dma_start3A_452] : memref<10x!tpu.dma_semaphore, #tpu.memory_space<semaphore_mem>> -> memref<1x!tpu.dma_semaphore, #tpu.memory_space<semaphore_mem>>
      %dma_start3A_460 = tpu.memref_squeeze %dma_start3A_459 : memref<1x!tpu.dma_semaphore, #tpu.memory_space<semaphore_mem>> -> memref<!tpu.dma_semaphore, #tpu.memory_space<semaphore_mem>>
      %dma_start3A_461 = arith.constant 0 : i32
      %dma_start3A_462 = tpu.memref_slice %arg4[%add3A_450, %dma_start3A_461] : memref<204800x64xf32, #tpu.memory_space<hbm>> -> memref<128x64xf32, #tpu.memory_space<hbm>>
      %dma_start3A_463 = arith.constant 0 : i32
      %dma_start3A_464 = arith.constant 0 : i32
      %dma_start3A_465 = tpu.memref_slice %arg6[%dma_start3A_451, %dma_start3A_463, %dma_start3A_464] : memref<10x128x64xf32, #tpu.memory_space<vmem>> -> memref<1x128x64xf32, #tpu.memory_space<vmem>>
      %dma_start3A_466 = tpu.memref_squeeze %dma_start3A_465 : memref<1x128x64xf32, #tpu.memory_space<vmem>> -> memref<128x64xf32, #tpu.memory_space<vmem>>
      tpu.enqueue_dma source(%dma_start3A_466 : memref<128x64xf32, #tpu.memory_space<vmem>>) target(%dma_start3A_462 : memref<128x64xf32, #tpu.memory_space<hbm>>) target_semaphore(%dma_start3A_460 : memref<!tpu.dma_semaphore, #tpu.memory_space<semaphore_mem>>)
      %add3A_467 = arith.constant 4 : i32
      %add3A_468 = arith.addi %mul3A_318, %add3A_467 : i32
      %mul3A_469 = arith.constant 128 : i32
      %mul3A_470 = arith.muli %add3A_468, %mul3A_469 : i32
      %dma_wait3A_471 = arith.constant 4 : i32
      %dma_wait3A_472 = arith.constant 4 : i32
      %dma_wait3A_473 = arith.constant 0 : i32
      %dma_wait3A_474 = arith.constant 0 : i32
      %dma_wait3A_475 = tpu.memref_slice %arg6[%dma_wait3A_471, %dma_wait3A_473, %dma_wait3A_474] : memref<10x128x64xf32, #tpu.memory_space<vmem>> -> memref<1x128x64xf32, #tpu.memory_space<vmem>>
      %dma_wait3A_476 = tpu.memref_squeeze %dma_wait3A_475 : memref<1x128x64xf32, #tpu.memory_space<vmem>> -> memref<128x64xf32, #tpu.memory_space<vmem>>
      %dma_wait3A_477 = tpu.memref_slice %arg5[%mul3A_470] : memref<6400xi32, #tpu.memory_space<vmem>> -> memref<128xi32, #tpu.memory_space<vmem>>
      %dma_wait3A_478 = arith.constant 0 : i32
      %dma_wait3A_479 = arith.constant 0 : i32
      %dma_wait3A_480 = tpu.memref_slice %arg2[%dma_wait3A_478, %dma_wait3A_479] : memref<100000x64xf32, #tpu.memory_space<hbm>> -> memref<100000x64xf32, #tpu.memory_space<hbm>>
      %dma_wait3A_481 = tpu.memref_slice %arg7[%dma_wait3A_472] : memref<10x!tpu.dma_semaphore, #tpu.memory_space<semaphore_mem>> -> memref<1x!tpu.dma_semaphore, #tpu.memory_space<semaphore_mem>>
      %dma_wait3A_482 = tpu.memref_squeeze %dma_wait3A_481 : memref<1x!tpu.dma_semaphore, #tpu.memory_space<semaphore_mem>> -> memref<!tpu.dma_semaphore, #tpu.memory_space<semaphore_mem>>
      tpu.wait_indirect_dma semaphore(%dma_wait3A_482 : memref<!tpu.dma_semaphore, #tpu.memory_space<semaphore_mem>>) src(%dma_wait3A_480 : memref<100000x64xf32, #tpu.memory_space<hbm>>) dst(%dma_wait3A_476 : memref<128x64xf32, #tpu.memory_space<vmem>>)
      %add3A_483 = arith.constant 4 : i32
      %add3A_484 = arith.addi %mul3A_318, %add3A_483 : i32
      %mul3A_485 = arith.constant 128 : i32
      %mul3A_486 = arith.muli %add3A_484, %mul3A_485 : i32
      %add3A_487 = arith.addi %mul3A_2, %mul3A_486 : i32
      %dma_start3A_488 = arith.constant 4 : i32
      %dma_start3A_489 = arith.constant 4 : i32
      %dma_start3A_490 = arith.constant 0 : i32
      %dma_start3A_491 = arith.constant 0 : i32
      %dma_start3A_492 = tpu.memref_slice %arg6[%dma_start3A_488, %dma_start3A_490, %dma_start3A_491] : memref<10x128x64xf32, #tpu.memory_space<vmem>> -> memref<1x128x64xf32, #tpu.memory_space<vmem>>
      %dma_start3A_493 = tpu.memref_squeeze %dma_start3A_492 : memref<1x128x64xf32, #tpu.memory_space<vmem>> -> memref<128x64xf32, #tpu.memory_space<vmem>>
      %dma_start3A_494 = arith.constant 0 : i32
      %dma_start3A_495 = tpu.memref_slice %arg4[%add3A_487, %dma_start3A_494] : memref<204800x64xf32, #tpu.memory_space<hbm>> -> memref<128x64xf32, #tpu.memory_space<hbm>>
      %dma_start3A_496 = tpu.memref_slice %arg8[%dma_start3A_489] : memref<10x!tpu.dma_semaphore, #tpu.memory_space<semaphore_mem>> -> memref<1x!tpu.dma_semaphore, #tpu.memory_space<semaphore_mem>>
      %dma_start3A_497 = tpu.memref_squeeze %dma_start3A_496 : memref<1x!tpu.dma_semaphore, #tpu.memory_space<semaphore_mem>> -> memref<!tpu.dma_semaphore, #tpu.memory_space<semaphore_mem>>
      %dma_start3A_498 = arith.constant 0 : i32
      %dma_start3A_499 = tpu.memref_slice %arg4[%add3A_487, %dma_start3A_498] : memref<204800x64xf32, #tpu.memory_space<hbm>> -> memref<128x64xf32, #tpu.memory_space<hbm>>
      %dma_start3A_500 = arith.constant 0 : i32
      %dma_start3A_501 = arith.constant 0 : i32
      %dma_start3A_502 = tpu.memref_slice %arg6[%dma_start3A_488, %dma_start3A_500, %dma_start3A_501] : memref<10x128x64xf32, #tpu.memory_space<vmem>> -> memref<1x128x64xf32, #tpu.memory_space<vmem>>
      %dma_start3A_503 = tpu.memref_squeeze %dma_start3A_502 : memref<1x128x64xf32, #tpu.memory_space<vmem>> -> memref<128x64xf32, #tpu.memory_space<vmem>>
      tpu.enqueue_dma source(%dma_start3A_503 : memref<128x64xf32, #tpu.memory_space<vmem>>) target(%dma_start3A_499 : memref<128x64xf32, #tpu.memory_space<hbm>>) target_semaphore(%dma_start3A_497 : memref<!tpu.dma_semaphore, #tpu.memory_space<semaphore_mem>>)
      %add3A_504 = arith.constant 5 : i32
      %add3A_505 = arith.addi %mul3A_318, %add3A_504 : i32
      %mul3A_506 = arith.constant 128 : i32
      %mul3A_507 = arith.muli %add3A_505, %mul3A_506 : i32
      %dma_wait3A_508 = arith.constant 5 : i32
      %dma_wait3A_509 = arith.constant 5 : i32
      %dma_wait3A_510 = arith.constant 0 : i32
      %dma_wait3A_511 = arith.constant 0 : i32
      %dma_wait3A_512 = tpu.memref_slice %arg6[%dma_wait3A_508, %dma_wait3A_510, %dma_wait3A_511] : memref<10x128x64xf32, #tpu.memory_space<vmem>> -> memref<1x128x64xf32, #tpu.memory_space<vmem>>
      %dma_wait3A_513 = tpu.memref_squeeze %dma_wait3A_512 : memref<1x128x64xf32, #tpu.memory_space<vmem>> -> memref<128x64xf32, #tpu.memory_space<vmem>>
      %dma_wait3A_514 = tpu.memref_slice %arg5[%mul3A_507] : memref<6400xi32, #tpu.memory_space<vmem>> -> memref<128xi32, #tpu.memory_space<vmem>>
      %dma_wait3A_515 = arith.constant 0 : i32
      %dma_wait3A_516 = arith.constant 0 : i32
      %dma_wait3A_517 = tpu.memref_slice %arg2[%dma_wait3A_515, %dma_wait3A_516] : memref<100000x64xf32, #tpu.memory_space<hbm>> -> memref<100000x64xf32, #tpu.memory_space<hbm>>
      %dma_wait3A_518 = tpu.memref_slice %arg7[%dma_wait3A_509] : memref<10x!tpu.dma_semaphore, #tpu.memory_space<semaphore_mem>> -> memref<1x!tpu.dma_semaphore, #tpu.memory_space<semaphore_mem>>
      %dma_wait3A_519 = tpu.memref_squeeze %dma_wait3A_518 : memref<1x!tpu.dma_semaphore, #tpu.memory_space<semaphore_mem>> -> memref<!tpu.dma_semaphore, #tpu.memory_space<semaphore_mem>>
      tpu.wait_indirect_dma semaphore(%dma_wait3A_519 : memref<!tpu.dma_semaphore, #tpu.memory_space<semaphore_mem>>) src(%dma_wait3A_517 : memref<100000x64xf32, #tpu.memory_space<hbm>>) dst(%dma_wait3A_513 : memref<128x64xf32, #tpu.memory_space<vmem>>)
      %add3A_520 = arith.constant 5 : i32
      %add3A_521 = arith.addi %mul3A_318, %add3A_520 : i32
      %mul3A_522 = arith.constant 128 : i32
      %mul3A_523 = arith.muli %add3A_521, %mul3A_522 : i32
      %add3A_524 = arith.addi %mul3A_2, %mul3A_523 : i32
      %dma_start3A_525 = arith.constant 5 : i32
      %dma_start3A_526 = arith.constant 5 : i32
      %dma_start3A_527 = arith.constant 0 : i32
      %dma_start3A_528 = arith.constant 0 : i32
      %dma_start3A_529 = tpu.memref_slice %arg6[%dma_start3A_525, %dma_start3A_527, %dma_start3A_528] : memref<10x128x64xf32, #tpu.memory_space<vmem>> -> memref<1x128x64xf32, #tpu.memory_space<vmem>>
      %dma_start3A_530 = tpu.memref_squeeze %dma_start3A_529 : memref<1x128x64xf32, #tpu.memory_space<vmem>> -> memref<128x64xf32, #tpu.memory_space<vmem>>
      %dma_start3A_531 = arith.constant 0 : i32
      %dma_start3A_532 = tpu.memref_slice %arg4[%add3A_524, %dma_start3A_531] : memref<204800x64xf32, #tpu.memory_space<hbm>> -> memref<128x64xf32, #tpu.memory_space<hbm>>
      %dma_start3A_533 = tpu.memref_slice %arg8[%dma_start3A_526] : memref<10x!tpu.dma_semaphore, #tpu.memory_space<semaphore_mem>> -> memref<1x!tpu.dma_semaphore, #tpu.memory_space<semaphore_mem>>
      %dma_start3A_534 = tpu.memref_squeeze %dma_start3A_533 : memref<1x!tpu.dma_semaphore, #tpu.memory_space<semaphore_mem>> -> memref<!tpu.dma_semaphore, #tpu.memory_space<semaphore_mem>>
      %dma_start3A_535 = arith.constant 0 : i32
      %dma_start3A_536 = tpu.memref_slice %arg4[%add3A_524, %dma_start3A_535] : memref<204800x64xf32, #tpu.memory_space<hbm>> -> memref<128x64xf32, #tpu.memory_space<hbm>>
      %dma_start3A_537 = arith.constant 0 : i32
      %dma_start3A_538 = arith.constant 0 : i32
      %dma_start3A_539 = tpu.memref_slice %arg6[%dma_start3A_525, %dma_start3A_537, %dma_start3A_538] : memref<10x128x64xf32, #tpu.memory_space<vmem>> -> memref<1x128x64xf32, #tpu.memory_space<vmem>>
      %dma_start3A_540 = tpu.memref_squeeze %dma_start3A_539 : memref<1x128x64xf32, #tpu.memory_space<vmem>> -> memref<128x64xf32, #tpu.memory_space<vmem>>
      tpu.enqueue_dma source(%dma_start3A_540 : memref<128x64xf32, #tpu.memory_space<vmem>>) target(%dma_start3A_536 : memref<128x64xf32, #tpu.memory_space<hbm>>) target_semaphore(%dma_start3A_534 : memref<!tpu.dma_semaphore, #tpu.memory_space<semaphore_mem>>)
      %add3A_541 = arith.constant 6 : i32
      %add3A_542 = arith.addi %mul3A_318, %add3A_541 : i32
      %mul3A_543 = arith.constant 128 : i32
      %mul3A_544 = arith.muli %add3A_542, %mul3A_543 : i32
      %dma_wait3A_545 = arith.constant 6 : i32
      %dma_wait3A_546 = arith.constant 6 : i32
      %dma_wait3A_547 = arith.constant 0 : i32
      %dma_wait3A_548 = arith.constant 0 : i32
      %dma_wait3A_549 = tpu.memref_slice %arg6[%dma_wait3A_545, %dma_wait3A_547, %dma_wait3A_548] : memref<10x128x64xf32, #tpu.memory_space<vmem>> -> memref<1x128x64xf32, #tpu.memory_space<vmem>>
      %dma_wait3A_550 = tpu.memref_squeeze %dma_wait3A_549 : memref<1x128x64xf32, #tpu.memory_space<vmem>> -> memref<128x64xf32, #tpu.memory_space<vmem>>
      %dma_wait3A_551 = tpu.memref_slice %arg5[%mul3A_544] : memref<6400xi32, #tpu.memory_space<vmem>> -> memref<128xi32, #tpu.memory_space<vmem>>
      %dma_wait3A_552 = arith.constant 0 : i32
      %dma_wait3A_553 = arith.constant 0 : i32
      %dma_wait3A_554 = tpu.memref_slice %arg2[%dma_wait3A_552, %dma_wait3A_553] : memref<100000x64xf32, #tpu.memory_space<hbm>> -> memref<100000x64xf32, #tpu.memory_space<hbm>>
      %dma_wait3A_555 = tpu.memref_slice %arg7[%dma_wait3A_546] : memref<10x!tpu.dma_semaphore, #tpu.memory_space<semaphore_mem>> -> memref<1x!tpu.dma_semaphore, #tpu.memory_space<semaphore_mem>>
      %dma_wait3A_556 = tpu.memref_squeeze %dma_wait3A_555 : memref<1x!tpu.dma_semaphore, #tpu.memory_space<semaphore_mem>> -> memref<!tpu.dma_semaphore, #tpu.memory_space<semaphore_mem>>
      tpu.wait_indirect_dma semaphore(%dma_wait3A_556 : memref<!tpu.dma_semaphore, #tpu.memory_space<semaphore_mem>>) src(%dma_wait3A_554 : memref<100000x64xf32, #tpu.memory_space<hbm>>) dst(%dma_wait3A_550 : memref<128x64xf32, #tpu.memory_space<vmem>>)
      %add3A_557 = arith.constant 6 : i32
      %add3A_558 = arith.addi %mul3A_318, %add3A_557 : i32
      %mul3A_559 = arith.constant 128 : i32
      %mul3A_560 = arith.muli %add3A_558, %mul3A_559 : i32
      %add3A_561 = arith.addi %mul3A_2, %mul3A_560 : i32
      %dma_start3A_562 = arith.constant 6 : i32
      %dma_start3A_563 = arith.constant 6 : i32
      %dma_start3A_564 = arith.constant 0 : i32
      %dma_start3A_565 = arith.constant 0 : i32
      %dma_start3A_566 = tpu.memref_slice %arg6[%dma_start3A_562, %dma_start3A_564, %dma_start3A_565] : memref<10x128x64xf32, #tpu.memory_space<vmem>> -> memref<1x128x64xf32, #tpu.memory_space<vmem>>
      %dma_start3A_567 = tpu.memref_squeeze %dma_start3A_566 : memref<1x128x64xf32, #tpu.memory_space<vmem>> -> memref<128x64xf32, #tpu.memory_space<vmem>>
      %dma_start3A_568 = arith.constant 0 : i32
      %dma_start3A_569 = tpu.memref_slice %arg4[%add3A_561, %dma_start3A_568] : memref<204800x64xf32, #tpu.memory_space<hbm>> -> memref<128x64xf32, #tpu.memory_space<hbm>>
      %dma_start3A_570 = tpu.memref_slice %arg8[%dma_start3A_563] : memref<10x!tpu.dma_semaphore, #tpu.memory_space<semaphore_mem>> -> memref<1x!tpu.dma_semaphore, #tpu.memory_space<semaphore_mem>>
      %dma_start3A_571 = tpu.memref_squeeze %dma_start3A_570 : memref<1x!tpu.dma_semaphore, #tpu.memory_space<semaphore_mem>> -> memref<!tpu.dma_semaphore, #tpu.memory_space<semaphore_mem>>
      %dma_start3A_572 = arith.constant 0 : i32
      %dma_start3A_573 = tpu.memref_slice %arg4[%add3A_561, %dma_start3A_572] : memref<204800x64xf32, #tpu.memory_space<hbm>> -> memref<128x64xf32, #tpu.memory_space<hbm>>
      %dma_start3A_574 = arith.constant 0 : i32
      %dma_start3A_575 = arith.constant 0 : i32
      %dma_start3A_576 = tpu.memref_slice %arg6[%dma_start3A_562, %dma_start3A_574, %dma_start3A_575] : memref<10x128x64xf32, #tpu.memory_space<vmem>> -> memref<1x128x64xf32, #tpu.memory_space<vmem>>
      %dma_start3A_577 = tpu.memref_squeeze %dma_start3A_576 : memref<1x128x64xf32, #tpu.memory_space<vmem>> -> memref<128x64xf32, #tpu.memory_space<vmem>>
      tpu.enqueue_dma source(%dma_start3A_577 : memref<128x64xf32, #tpu.memory_space<vmem>>) target(%dma_start3A_573 : memref<128x64xf32, #tpu.memory_space<hbm>>) target_semaphore(%dma_start3A_571 : memref<!tpu.dma_semaphore, #tpu.memory_space<semaphore_mem>>)
      %add3A_578 = arith.constant 7 : i32
      %add3A_579 = arith.addi %mul3A_318, %add3A_578 : i32
      %mul3A_580 = arith.constant 128 : i32
      %mul3A_581 = arith.muli %add3A_579, %mul3A_580 : i32
      %dma_wait3A_582 = arith.constant 7 : i32
      %dma_wait3A_583 = arith.constant 7 : i32
      %dma_wait3A_584 = arith.constant 0 : i32
      %dma_wait3A_585 = arith.constant 0 : i32
      %dma_wait3A_586 = tpu.memref_slice %arg6[%dma_wait3A_582, %dma_wait3A_584, %dma_wait3A_585] : memref<10x128x64xf32, #tpu.memory_space<vmem>> -> memref<1x128x64xf32, #tpu.memory_space<vmem>>
      %dma_wait3A_587 = tpu.memref_squeeze %dma_wait3A_586 : memref<1x128x64xf32, #tpu.memory_space<vmem>> -> memref<128x64xf32, #tpu.memory_space<vmem>>
      %dma_wait3A_588 = tpu.memref_slice %arg5[%mul3A_581] : memref<6400xi32, #tpu.memory_space<vmem>> -> memref<128xi32, #tpu.memory_space<vmem>>
      %dma_wait3A_589 = arith.constant 0 : i32
      %dma_wait3A_590 = arith.constant 0 : i32
      %dma_wait3A_591 = tpu.memref_slice %arg2[%dma_wait3A_589, %dma_wait3A_590] : memref<100000x64xf32, #tpu.memory_space<hbm>> -> memref<100000x64xf32, #tpu.memory_space<hbm>>
      %dma_wait3A_592 = tpu.memref_slice %arg7[%dma_wait3A_583] : memref<10x!tpu.dma_semaphore, #tpu.memory_space<semaphore_mem>> -> memref<1x!tpu.dma_semaphore, #tpu.memory_space<semaphore_mem>>
      %dma_wait3A_593 = tpu.memref_squeeze %dma_wait3A_592 : memref<1x!tpu.dma_semaphore, #tpu.memory_space<semaphore_mem>> -> memref<!tpu.dma_semaphore, #tpu.memory_space<semaphore_mem>>
      tpu.wait_indirect_dma semaphore(%dma_wait3A_593 : memref<!tpu.dma_semaphore, #tpu.memory_space<semaphore_mem>>) src(%dma_wait3A_591 : memref<100000x64xf32, #tpu.memory_space<hbm>>) dst(%dma_wait3A_587 : memref<128x64xf32, #tpu.memory_space<vmem>>)
      %add3A_594 = arith.constant 7 : i32
      %add3A_595 = arith.addi %mul3A_318, %add3A_594 : i32
      %mul3A_596 = arith.constant 128 : i32
      %mul3A_597 = arith.muli %add3A_595, %mul3A_596 : i32
      %add3A_598 = arith.addi %mul3A_2, %mul3A_597 : i32
      %dma_start3A_599 = arith.constant 7 : i32
      %dma_start3A_600 = arith.constant 7 : i32
      %dma_start3A_601 = arith.constant 0 : i32
      %dma_start3A_602 = arith.constant 0 : i32
      %dma_start3A_603 = tpu.memref_slice %arg6[%dma_start3A_599, %dma_start3A_601, %dma_start3A_602] : memref<10x128x64xf32, #tpu.memory_space<vmem>> -> memref<1x128x64xf32, #tpu.memory_space<vmem>>
      %dma_start3A_604 = tpu.memref_squeeze %dma_start3A_603 : memref<1x128x64xf32, #tpu.memory_space<vmem>> -> memref<128x64xf32, #tpu.memory_space<vmem>>
      %dma_start3A_605 = arith.constant 0 : i32
      %dma_start3A_606 = tpu.memref_slice %arg4[%add3A_598, %dma_start3A_605] : memref<204800x64xf32, #tpu.memory_space<hbm>> -> memref<128x64xf32, #tpu.memory_space<hbm>>
      %dma_start3A_607 = tpu.memref_slice %arg8[%dma_start3A_600] : memref<10x!tpu.dma_semaphore, #tpu.memory_space<semaphore_mem>> -> memref<1x!tpu.dma_semaphore, #tpu.memory_space<semaphore_mem>>
      %dma_start3A_608 = tpu.memref_squeeze %dma_start3A_607 : memref<1x!tpu.dma_semaphore, #tpu.memory_space<semaphore_mem>> -> memref<!tpu.dma_semaphore, #tpu.memory_space<semaphore_mem>>
      %dma_start3A_609 = arith.constant 0 : i32
      %dma_start3A_610 = tpu.memref_slice %arg4[%add3A_598, %dma_start3A_609] : memref<204800x64xf32, #tpu.memory_space<hbm>> -> memref<128x64xf32, #tpu.memory_space<hbm>>
      %dma_start3A_611 = arith.constant 0 : i32
      %dma_start3A_612 = arith.constant 0 : i32
      %dma_start3A_613 = tpu.memref_slice %arg6[%dma_start3A_599, %dma_start3A_611, %dma_start3A_612] : memref<10x128x64xf32, #tpu.memory_space<vmem>> -> memref<1x128x64xf32, #tpu.memory_space<vmem>>
      %dma_start3A_614 = tpu.memref_squeeze %dma_start3A_613 : memref<1x128x64xf32, #tpu.memory_space<vmem>> -> memref<128x64xf32, #tpu.memory_space<vmem>>
      tpu.enqueue_dma source(%dma_start3A_614 : memref<128x64xf32, #tpu.memory_space<vmem>>) target(%dma_start3A_610 : memref<128x64xf32, #tpu.memory_space<hbm>>) target_semaphore(%dma_start3A_608 : memref<!tpu.dma_semaphore, #tpu.memory_space<semaphore_mem>>)
      %add3A_615 = arith.constant 8 : i32
      %add3A_616 = arith.addi %mul3A_318, %add3A_615 : i32
      %mul3A_617 = arith.constant 128 : i32
      %mul3A_618 = arith.muli %add3A_616, %mul3A_617 : i32
      %dma_wait3A_619 = arith.constant 8 : i32
      %dma_wait3A_620 = arith.constant 8 : i32
      %dma_wait3A_621 = arith.constant 0 : i32
      %dma_wait3A_622 = arith.constant 0 : i32
      %dma_wait3A_623 = tpu.memref_slice %arg6[%dma_wait3A_619, %dma_wait3A_621, %dma_wait3A_622] : memref<10x128x64xf32, #tpu.memory_space<vmem>> -> memref<1x128x64xf32, #tpu.memory_space<vmem>>
      %dma_wait3A_624 = tpu.memref_squeeze %dma_wait3A_623 : memref<1x128x64xf32, #tpu.memory_space<vmem>> -> memref<128x64xf32, #tpu.memory_space<vmem>>
      %dma_wait3A_625 = tpu.memref_slice %arg5[%mul3A_618] : memref<6400xi32, #tpu.memory_space<vmem>> -> memref<128xi32, #tpu.memory_space<vmem>>
      %dma_wait3A_626 = arith.constant 0 : i32
      %dma_wait3A_627 = arith.constant 0 : i32
      %dma_wait3A_628 = tpu.memref_slice %arg2[%dma_wait3A_626, %dma_wait3A_627] : memref<100000x64xf32, #tpu.memory_space<hbm>> -> memref<100000x64xf32, #tpu.memory_space<hbm>>
      %dma_wait3A_629 = tpu.memref_slice %arg7[%dma_wait3A_620] : memref<10x!tpu.dma_semaphore, #tpu.memory_space<semaphore_mem>> -> memref<1x!tpu.dma_semaphore, #tpu.memory_space<semaphore_mem>>
      %dma_wait3A_630 = tpu.memref_squeeze %dma_wait3A_629 : memref<1x!tpu.dma_semaphore, #tpu.memory_space<semaphore_mem>> -> memref<!tpu.dma_semaphore, #tpu.memory_space<semaphore_mem>>
      tpu.wait_indirect_dma semaphore(%dma_wait3A_630 : memref<!tpu.dma_semaphore, #tpu.memory_space<semaphore_mem>>) src(%dma_wait3A_628 : memref<100000x64xf32, #tpu.memory_space<hbm>>) dst(%dma_wait3A_624 : memref<128x64xf32, #tpu.memory_space<vmem>>)
      %add3A_631 = arith.constant 8 : i32
      %add3A_632 = arith.addi %mul3A_318, %add3A_631 : i32
      %mul3A_633 = arith.constant 128 : i32
      %mul3A_634 = arith.muli %add3A_632, %mul3A_633 : i32
      %add3A_635 = arith.addi %mul3A_2, %mul3A_634 : i32
      %dma_start3A_636 = arith.constant 8 : i32
      %dma_start3A_637 = arith.constant 8 : i32
      %dma_start3A_638 = arith.constant 0 : i32
      %dma_start3A_639 = arith.constant 0 : i32
      %dma_start3A_640 = tpu.memref_slice %arg6[%dma_start3A_636, %dma_start3A_638, %dma_start3A_639] : memref<10x128x64xf32, #tpu.memory_space<vmem>> -> memref<1x128x64xf32, #tpu.memory_space<vmem>>
      %dma_start3A_641 = tpu.memref_squeeze %dma_start3A_640 : memref<1x128x64xf32, #tpu.memory_space<vmem>> -> memref<128x64xf32, #tpu.memory_space<vmem>>
      %dma_start3A_642 = arith.constant 0 : i32
      %dma_start3A_643 = tpu.memref_slice %arg4[%add3A_635, %dma_start3A_642] : memref<204800x64xf32, #tpu.memory_space<hbm>> -> memref<128x64xf32, #tpu.memory_space<hbm>>
      %dma_start3A_644 = tpu.memref_slice %arg8[%dma_start3A_637] : memref<10x!tpu.dma_semaphore, #tpu.memory_space<semaphore_mem>> -> memref<1x!tpu.dma_semaphore, #tpu.memory_space<semaphore_mem>>
      %dma_start3A_645 = tpu.memref_squeeze %dma_start3A_644 : memref<1x!tpu.dma_semaphore, #tpu.memory_space<semaphore_mem>> -> memref<!tpu.dma_semaphore, #tpu.memory_space<semaphore_mem>>
      %dma_start3A_646 = arith.constant 0 : i32
      %dma_start3A_647 = tpu.memref_slice %arg4[%add3A_635, %dma_start3A_646] : memref<204800x64xf32, #tpu.memory_space<hbm>> -> memref<128x64xf32, #tpu.memory_space<hbm>>
      %dma_start3A_648 = arith.constant 0 : i32
      %dma_start3A_649 = arith.constant 0 : i32
      %dma_start3A_650 = tpu.memref_slice %arg6[%dma_start3A_636, %dma_start3A_648, %dma_start3A_649] : memref<10x128x64xf32, #tpu.memory_space<vmem>> -> memref<1x128x64xf32, #tpu.memory_space<vmem>>
      %dma_start3A_651 = tpu.memref_squeeze %dma_start3A_650 : memref<1x128x64xf32, #tpu.memory_space<vmem>> -> memref<128x64xf32, #tpu.memory_space<vmem>>
      tpu.enqueue_dma source(%dma_start3A_651 : memref<128x64xf32, #tpu.memory_space<vmem>>) target(%dma_start3A_647 : memref<128x64xf32, #tpu.memory_space<hbm>>) target_semaphore(%dma_start3A_645 : memref<!tpu.dma_semaphore, #tpu.memory_space<semaphore_mem>>)
      %add3A_652 = arith.constant 9 : i32
      %add3A_653 = arith.addi %mul3A_318, %add3A_652 : i32
      %mul3A_654 = arith.constant 128 : i32
      %mul3A_655 = arith.muli %add3A_653, %mul3A_654 : i32
      %dma_wait3A_656 = arith.constant 9 : i32
      %dma_wait3A_657 = arith.constant 9 : i32
      %dma_wait3A_658 = arith.constant 0 : i32
      %dma_wait3A_659 = arith.constant 0 : i32
      %dma_wait3A_660 = tpu.memref_slice %arg6[%dma_wait3A_656, %dma_wait3A_658, %dma_wait3A_659] : memref<10x128x64xf32, #tpu.memory_space<vmem>> -> memref<1x128x64xf32, #tpu.memory_space<vmem>>
      %dma_wait3A_661 = tpu.memref_squeeze %dma_wait3A_660 : memref<1x128x64xf32, #tpu.memory_space<vmem>> -> memref<128x64xf32, #tpu.memory_space<vmem>>
      %dma_wait3A_662 = tpu.memref_slice %arg5[%mul3A_655] : memref<6400xi32, #tpu.memory_space<vmem>> -> memref<128xi32, #tpu.memory_space<vmem>>
      %dma_wait3A_663 = arith.constant 0 : i32
      %dma_wait3A_664 = arith.constant 0 : i32
      %dma_wait3A_665 = tpu.memref_slice %arg2[%dma_wait3A_663, %dma_wait3A_664] : memref<100000x64xf32, #tpu.memory_space<hbm>> -> memref<100000x64xf32, #tpu.memory_space<hbm>>
      %dma_wait3A_666 = tpu.memref_slice %arg7[%dma_wait3A_657] : memref<10x!tpu.dma_semaphore, #tpu.memory_space<semaphore_mem>> -> memref<1x!tpu.dma_semaphore, #tpu.memory_space<semaphore_mem>>
      %dma_wait3A_667 = tpu.memref_squeeze %dma_wait3A_666 : memref<1x!tpu.dma_semaphore, #tpu.memory_space<semaphore_mem>> -> memref<!tpu.dma_semaphore, #tpu.memory_space<semaphore_mem>>
      tpu.wait_indirect_dma semaphore(%dma_wait3A_667 : memref<!tpu.dma_semaphore, #tpu.memory_space<semaphore_mem>>) src(%dma_wait3A_665 : memref<100000x64xf32, #tpu.memory_space<hbm>>) dst(%dma_wait3A_661 : memref<128x64xf32, #tpu.memory_space<vmem>>)
      %add3A_668 = arith.constant 9 : i32
      %add3A_669 = arith.addi %mul3A_318, %add3A_668 : i32
      %mul3A_670 = arith.constant 128 : i32
      %mul3A_671 = arith.muli %add3A_669, %mul3A_670 : i32
      %add3A_672 = arith.addi %mul3A_2, %mul3A_671 : i32
      %dma_start3A_673 = arith.constant 9 : i32
      %dma_start3A_674 = arith.constant 9 : i32
      %dma_start3A_675 = arith.constant 0 : i32
      %dma_start3A_676 = arith.constant 0 : i32
      %dma_start3A_677 = tpu.memref_slice %arg6[%dma_start3A_673, %dma_start3A_675, %dma_start3A_676] : memref<10x128x64xf32, #tpu.memory_space<vmem>> -> memref<1x128x64xf32, #tpu.memory_space<vmem>>
      %dma_start3A_678 = tpu.memref_squeeze %dma_start3A_677 : memref<1x128x64xf32, #tpu.memory_space<vmem>> -> memref<128x64xf32, #tpu.memory_space<vmem>>
      %dma_start3A_679 = arith.constant 0 : i32
      %dma_start3A_680 = tpu.memref_slice %arg4[%add3A_672, %dma_start3A_679] : memref<204800x64xf32, #tpu.memory_space<hbm>> -> memref<128x64xf32, #tpu.memory_space<hbm>>
      %dma_start3A_681 = tpu.memref_slice %arg8[%dma_start3A_674] : memref<10x!tpu.dma_semaphore, #tpu.memory_space<semaphore_mem>> -> memref<1x!tpu.dma_semaphore, #tpu.memory_space<semaphore_mem>>
      %dma_start3A_682 = tpu.memref_squeeze %dma_start3A_681 : memref<1x!tpu.dma_semaphore, #tpu.memory_space<semaphore_mem>> -> memref<!tpu.dma_semaphore, #tpu.memory_space<semaphore_mem>>
      %dma_start3A_683 = arith.constant 0 : i32
      %dma_start3A_684 = tpu.memref_slice %arg4[%add3A_672, %dma_start3A_683] : memref<204800x64xf32, #tpu.memory_space<hbm>> -> memref<128x64xf32, #tpu.memory_space<hbm>>
      %dma_start3A_685 = arith.constant 0 : i32
      %dma_start3A_686 = arith.constant 0 : i32
      %dma_start3A_687 = tpu.memref_slice %arg6[%dma_start3A_673, %dma_start3A_685, %dma_start3A_686] : memref<10x128x64xf32, #tpu.memory_space<vmem>> -> memref<1x128x64xf32, #tpu.memory_space<vmem>>
      %dma_start3A_688 = tpu.memref_squeeze %dma_start3A_687 : memref<1x128x64xf32, #tpu.memory_space<vmem>> -> memref<128x64xf32, #tpu.memory_space<vmem>>
      tpu.enqueue_dma source(%dma_start3A_688 : memref<128x64xf32, #tpu.memory_space<vmem>>) target(%dma_start3A_684 : memref<128x64xf32, #tpu.memory_space<hbm>>) target_semaphore(%dma_start3A_682 : memref<!tpu.dma_semaphore, #tpu.memory_space<semaphore_mem>>)
      %lt3A = arith.constant 4 : i32
      %lt3A_689 = arith.cmpi slt, %scan3A_316, %lt3A : i32
      %convert_element_type3A = arith.extui %lt3A_689 : i1 to i32
      %cond3A = arith.constant 0 : i32
      %cond3A_690 = arith.cmpi ne, %convert_element_type3A, %cond3A : i32
      scf.if %cond3A_690 {
        %add3A_691 = arith.constant 0 : i32
        %add3A_692 = arith.addi %mul3A_318, %add3A_691 : i32
        %mul3A_693 = arith.constant 128 : i32
        %mul3A_694 = arith.muli %add3A_692, %mul3A_693 : i32
        %add3A_695 = arith.addi %mul3A_2, %mul3A_694 : i32
        %dma_wait3A_696 = arith.constant 0 : i32
        %dma_wait3A_697 = arith.constant 0 : i32
        %dma_wait3A_698 = arith.constant 0 : i32
        %dma_wait3A_699 = arith.constant 0 : i32
        %dma_wait3A_700 = tpu.memref_slice %arg6[%dma_wait3A_696, %dma_wait3A_698, %dma_wait3A_699] : memref<10x128x64xf32, #tpu.memory_space<vmem>> -> memref<1x128x64xf32, #tpu.memory_space<vmem>>
        %dma_wait3A_701 = tpu.memref_squeeze %dma_wait3A_700 : memref<1x128x64xf32, #tpu.memory_space<vmem>> -> memref<128x64xf32, #tpu.memory_space<vmem>>
        %dma_wait3A_702 = arith.constant 0 : i32
        %dma_wait3A_703 = tpu.memref_slice %arg4[%add3A_695, %dma_wait3A_702] : memref<204800x64xf32, #tpu.memory_space<hbm>> -> memref<128x64xf32, #tpu.memory_space<hbm>>
        %dma_wait3A_704 = tpu.memref_slice %arg8[%dma_wait3A_697] : memref<10x!tpu.dma_semaphore, #tpu.memory_space<semaphore_mem>> -> memref<1x!tpu.dma_semaphore, #tpu.memory_space<semaphore_mem>>
        %dma_wait3A_705 = tpu.memref_squeeze %dma_wait3A_704 : memref<1x!tpu.dma_semaphore, #tpu.memory_space<semaphore_mem>> -> memref<!tpu.dma_semaphore, #tpu.memory_space<semaphore_mem>>
        %dma_wait3A_706 = arith.constant 0 : i32
        %dma_wait3A_707 = tpu.memref_slice %arg4[%add3A_695, %dma_wait3A_706] : memref<204800x64xf32, #tpu.memory_space<hbm>> -> memref<128x64xf32, #tpu.memory_space<hbm>>
        %dma_wait3A_708 = arith.constant 0 : i32
        %dma_wait3A_709 = arith.constant 0 : i32
        %dma_wait3A_710 = tpu.memref_slice %arg6[%dma_wait3A_696, %dma_wait3A_708, %dma_wait3A_709] : memref<10x128x64xf32, #tpu.memory_space<vmem>> -> memref<1x128x64xf32, #tpu.memory_space<vmem>>
        %dma_wait3A_711 = tpu.memref_squeeze %dma_wait3A_710 : memref<1x128x64xf32, #tpu.memory_space<vmem>> -> memref<128x64xf32, #tpu.memory_space<vmem>>
        tpu.wait_dma2 semaphore(%dma_wait3A_705 : memref<!tpu.dma_semaphore, #tpu.memory_space<semaphore_mem>>) src(%dma_wait3A_711 : memref<128x64xf32, #tpu.memory_space<vmem>>) dst(%dma_wait3A_707 : memref<128x64xf32, #tpu.memory_space<hbm>>)
        %add3A_712 = arith.constant 10 : i32
        %add3A_713 = arith.addi %mul3A_318, %add3A_712 : i32
        %add3A_714 = arith.constant 0 : i32
        %add3A_715 = arith.addi %add3A_713, %add3A_714 : i32
        %mul3A_716 = arith.constant 128 : i32
        %mul3A_717 = arith.muli %add3A_715, %mul3A_716 : i32
        %dma_start3A_718 = arith.constant 0 : i32
        %dma_start3A_719 = arith.constant 0 : i32
        %dma_start3A_720 = arith.constant 0 : i32
        %dma_start3A_721 = arith.constant 0 : i32
        %dma_start3A_722 = tpu.memref_slice %arg6[%dma_start3A_718, %dma_start3A_720, %dma_start3A_721] : memref<10x128x64xf32, #tpu.memory_space<vmem>> -> memref<1x128x64xf32, #tpu.memory_space<vmem>>
        %dma_start3A_723 = tpu.memref_squeeze %dma_start3A_722 : memref<1x128x64xf32, #tpu.memory_space<vmem>> -> memref<128x64xf32, #tpu.memory_space<vmem>>
        %dma_start3A_724 = tpu.memref_slice %arg5[%mul3A_717] : memref<6400xi32, #tpu.memory_space<vmem>> -> memref<128xi32, #tpu.memory_space<vmem>>
        %dma_start3A_725 = arith.constant 0 : i32
        %dma_start3A_726 = arith.constant 0 : i32
        %dma_start3A_727 = tpu.memref_slice %arg2[%dma_start3A_725, %dma_start3A_726] : memref<100000x64xf32, #tpu.memory_space<hbm>> -> memref<100000x64xf32, #tpu.memory_space<hbm>>
        %dma_start3A_728 = tpu.memref_slice %arg7[%dma_start3A_719] : memref<10x!tpu.dma_semaphore, #tpu.memory_space<semaphore_mem>> -> memref<1x!tpu.dma_semaphore, #tpu.memory_space<semaphore_mem>>
        %dma_start3A_729 = tpu.memref_squeeze %dma_start3A_728 : memref<1x!tpu.dma_semaphore, #tpu.memory_space<semaphore_mem>> -> memref<!tpu.dma_semaphore, #tpu.memory_space<semaphore_mem>>
        tpu.enqueue_indirect_dma source(%dma_start3A_727 : memref<100000x64xf32, #tpu.memory_space<hbm>>) target(%dma_start3A_723 : memref<128x64xf32, #tpu.memory_space<vmem>>) offsets(%dma_start3A_724 : memref<128xi32, #tpu.memory_space<vmem>>) semaphore(%dma_start3A_729 : memref<!tpu.dma_semaphore, #tpu.memory_space<semaphore_mem>>)
        %add3A_730 = arith.constant 1 : i32
        %add3A_731 = arith.addi %mul3A_318, %add3A_730 : i32
        %mul3A_732 = arith.constant 128 : i32
        %mul3A_733 = arith.muli %add3A_731, %mul3A_732 : i32
        %add3A_734 = arith.addi %mul3A_2, %mul3A_733 : i32
        %dma_wait3A_735 = arith.constant 1 : i32
        %dma_wait3A_736 = arith.constant 1 : i32
        %dma_wait3A_737 = arith.constant 0 : i32
        %dma_wait3A_738 = arith.constant 0 : i32
        %dma_wait3A_739 = tpu.memref_slice %arg6[%dma_wait3A_735, %dma_wait3A_737, %dma_wait3A_738] : memref<10x128x64xf32, #tpu.memory_space<vmem>> -> memref<1x128x64xf32, #tpu.memory_space<vmem>>
        %dma_wait3A_740 = tpu.memref_squeeze %dma_wait3A_739 : memref<1x128x64xf32, #tpu.memory_space<vmem>> -> memref<128x64xf32, #tpu.memory_space<vmem>>
        %dma_wait3A_741 = arith.constant 0 : i32
        %dma_wait3A_742 = tpu.memref_slice %arg4[%add3A_734, %dma_wait3A_741] : memref<204800x64xf32, #tpu.memory_space<hbm>> -> memref<128x64xf32, #tpu.memory_space<hbm>>
        %dma_wait3A_743 = tpu.memref_slice %arg8[%dma_wait3A_736] : memref<10x!tpu.dma_semaphore, #tpu.memory_space<semaphore_mem>> -> memref<1x!tpu.dma_semaphore, #tpu.memory_space<semaphore_mem>>
        %dma_wait3A_744 = tpu.memref_squeeze %dma_wait3A_743 : memref<1x!tpu.dma_semaphore, #tpu.memory_space<semaphore_mem>> -> memref<!tpu.dma_semaphore, #tpu.memory_space<semaphore_mem>>
        %dma_wait3A_745 = arith.constant 0 : i32
        %dma_wait3A_746 = tpu.memref_slice %arg4[%add3A_734, %dma_wait3A_745] : memref<204800x64xf32, #tpu.memory_space<hbm>> -> memref<128x64xf32, #tpu.memory_space<hbm>>
        %dma_wait3A_747 = arith.constant 0 : i32
        %dma_wait3A_748 = arith.constant 0 : i32
        %dma_wait3A_749 = tpu.memref_slice %arg6[%dma_wait3A_735, %dma_wait3A_747, %dma_wait3A_748] : memref<10x128x64xf32, #tpu.memory_space<vmem>> -> memref<1x128x64xf32, #tpu.memory_space<vmem>>
        %dma_wait3A_750 = tpu.memref_squeeze %dma_wait3A_749 : memref<1x128x64xf32, #tpu.memory_space<vmem>> -> memref<128x64xf32, #tpu.memory_space<vmem>>
        tpu.wait_dma2 semaphore(%dma_wait3A_744 : memref<!tpu.dma_semaphore, #tpu.memory_space<semaphore_mem>>) src(%dma_wait3A_750 : memref<128x64xf32, #tpu.memory_space<vmem>>) dst(%dma_wait3A_746 : memref<128x64xf32, #tpu.memory_space<hbm>>)
        %add3A_751 = arith.constant 10 : i32
        %add3A_752 = arith.addi %mul3A_318, %add3A_751 : i32
        %add3A_753 = arith.constant 1 : i32
        %add3A_754 = arith.addi %add3A_752, %add3A_753 : i32
        %mul3A_755 = arith.constant 128 : i32
        %mul3A_756 = arith.muli %add3A_754, %mul3A_755 : i32
        %dma_start3A_757 = arith.constant 1 : i32
        %dma_start3A_758 = arith.constant 1 : i32
        %dma_start3A_759 = arith.constant 0 : i32
        %dma_start3A_760 = arith.constant 0 : i32
        %dma_start3A_761 = tpu.memref_slice %arg6[%dma_start3A_757, %dma_start3A_759, %dma_start3A_760] : memref<10x128x64xf32, #tpu.memory_space<vmem>> -> memref<1x128x64xf32, #tpu.memory_space<vmem>>
        %dma_start3A_762 = tpu.memref_squeeze %dma_start3A_761 : memref<1x128x64xf32, #tpu.memory_space<vmem>> -> memref<128x64xf32, #tpu.memory_space<vmem>>
        %dma_start3A_763 = tpu.memref_slice %arg5[%mul3A_756] : memref<6400xi32, #tpu.memory_space<vmem>> -> memref<128xi32, #tpu.memory_space<vmem>>
        %dma_start3A_764 = arith.constant 0 : i32
        %dma_start3A_765 = arith.constant 0 : i32
        %dma_start3A_766 = tpu.memref_slice %arg2[%dma_start3A_764, %dma_start3A_765] : memref<100000x64xf32, #tpu.memory_space<hbm>> -> memref<100000x64xf32, #tpu.memory_space<hbm>>
        %dma_start3A_767 = tpu.memref_slice %arg7[%dma_start3A_758] : memref<10x!tpu.dma_semaphore, #tpu.memory_space<semaphore_mem>> -> memref<1x!tpu.dma_semaphore, #tpu.memory_space<semaphore_mem>>
        %dma_start3A_768 = tpu.memref_squeeze %dma_start3A_767 : memref<1x!tpu.dma_semaphore, #tpu.memory_space<semaphore_mem>> -> memref<!tpu.dma_semaphore, #tpu.memory_space<semaphore_mem>>
        tpu.enqueue_indirect_dma source(%dma_start3A_766 : memref<100000x64xf32, #tpu.memory_space<hbm>>) target(%dma_start3A_762 : memref<128x64xf32, #tpu.memory_space<vmem>>) offsets(%dma_start3A_763 : memref<128xi32, #tpu.memory_space<vmem>>) semaphore(%dma_start3A_768 : memref<!tpu.dma_semaphore, #tpu.memory_space<semaphore_mem>>)
        %add3A_769 = arith.constant 2 : i32
        %add3A_770 = arith.addi %mul3A_318, %add3A_769 : i32
        %mul3A_771 = arith.constant 128 : i32
        %mul3A_772 = arith.muli %add3A_770, %mul3A_771 : i32
        %add3A_773 = arith.addi %mul3A_2, %mul3A_772 : i32
        %dma_wait3A_774 = arith.constant 2 : i32
        %dma_wait3A_775 = arith.constant 2 : i32
        %dma_wait3A_776 = arith.constant 0 : i32
        %dma_wait3A_777 = arith.constant 0 : i32
        %dma_wait3A_778 = tpu.memref_slice %arg6[%dma_wait3A_774, %dma_wait3A_776, %dma_wait3A_777] : memref<10x128x64xf32, #tpu.memory_space<vmem>> -> memref<1x128x64xf32, #tpu.memory_space<vmem>>
        %dma_wait3A_779 = tpu.memref_squeeze %dma_wait3A_778 : memref<1x128x64xf32, #tpu.memory_space<vmem>> -> memref<128x64xf32, #tpu.memory_space<vmem>>
        %dma_wait3A_780 = arith.constant 0 : i32
        %dma_wait3A_781 = tpu.memref_slice %arg4[%add3A_773, %dma_wait3A_780] : memref<204800x64xf32, #tpu.memory_space<hbm>> -> memref<128x64xf32, #tpu.memory_space<hbm>>
        %dma_wait3A_782 = tpu.memref_slice %arg8[%dma_wait3A_775] : memref<10x!tpu.dma_semaphore, #tpu.memory_space<semaphore_mem>> -> memref<1x!tpu.dma_semaphore, #tpu.memory_space<semaphore_mem>>
        %dma_wait3A_783 = tpu.memref_squeeze %dma_wait3A_782 : memref<1x!tpu.dma_semaphore, #tpu.memory_space<semaphore_mem>> -> memref<!tpu.dma_semaphore, #tpu.memory_space<semaphore_mem>>
        %dma_wait3A_784 = arith.constant 0 : i32
        %dma_wait3A_785 = tpu.memref_slice %arg4[%add3A_773, %dma_wait3A_784] : memref<204800x64xf32, #tpu.memory_space<hbm>> -> memref<128x64xf32, #tpu.memory_space<hbm>>
        %dma_wait3A_786 = arith.constant 0 : i32
        %dma_wait3A_787 = arith.constant 0 : i32
        %dma_wait3A_788 = tpu.memref_slice %arg6[%dma_wait3A_774, %dma_wait3A_786, %dma_wait3A_787] : memref<10x128x64xf32, #tpu.memory_space<vmem>> -> memref<1x128x64xf32, #tpu.memory_space<vmem>>
        %dma_wait3A_789 = tpu.memref_squeeze %dma_wait3A_788 : memref<1x128x64xf32, #tpu.memory_space<vmem>> -> memref<128x64xf32, #tpu.memory_space<vmem>>
        tpu.wait_dma2 semaphore(%dma_wait3A_783 : memref<!tpu.dma_semaphore, #tpu.memory_space<semaphore_mem>>) src(%dma_wait3A_789 : memref<128x64xf32, #tpu.memory_space<vmem>>) dst(%dma_wait3A_785 : memref<128x64xf32, #tpu.memory_space<hbm>>)
        %add3A_790 = arith.constant 10 : i32
        %add3A_791 = arith.addi %mul3A_318, %add3A_790 : i32
        %add3A_792 = arith.constant 2 : i32
        %add3A_793 = arith.addi %add3A_791, %add3A_792 : i32
        %mul3A_794 = arith.constant 128 : i32
        %mul3A_795 = arith.muli %add3A_793, %mul3A_794 : i32
        %dma_start3A_796 = arith.constant 2 : i32
        %dma_start3A_797 = arith.constant 2 : i32
        %dma_start3A_798 = arith.constant 0 : i32
        %dma_start3A_799 = arith.constant 0 : i32
        %dma_start3A_800 = tpu.memref_slice %arg6[%dma_start3A_796, %dma_start3A_798, %dma_start3A_799] : memref<10x128x64xf32, #tpu.memory_space<vmem>> -> memref<1x128x64xf32, #tpu.memory_space<vmem>>
        %dma_start3A_801 = tpu.memref_squeeze %dma_start3A_800 : memref<1x128x64xf32, #tpu.memory_space<vmem>> -> memref<128x64xf32, #tpu.memory_space<vmem>>
        %dma_start3A_802 = tpu.memref_slice %arg5[%mul3A_795] : memref<6400xi32, #tpu.memory_space<vmem>> -> memref<128xi32, #tpu.memory_space<vmem>>
        %dma_start3A_803 = arith.constant 0 : i32
        %dma_start3A_804 = arith.constant 0 : i32
        %dma_start3A_805 = tpu.memref_slice %arg2[%dma_start3A_803, %dma_start3A_804] : memref<100000x64xf32, #tpu.memory_space<hbm>> -> memref<100000x64xf32, #tpu.memory_space<hbm>>
        %dma_start3A_806 = tpu.memref_slice %arg7[%dma_start3A_797] : memref<10x!tpu.dma_semaphore, #tpu.memory_space<semaphore_mem>> -> memref<1x!tpu.dma_semaphore, #tpu.memory_space<semaphore_mem>>
        %dma_start3A_807 = tpu.memref_squeeze %dma_start3A_806 : memref<1x!tpu.dma_semaphore, #tpu.memory_space<semaphore_mem>> -> memref<!tpu.dma_semaphore, #tpu.memory_space<semaphore_mem>>
        tpu.enqueue_indirect_dma source(%dma_start3A_805 : memref<100000x64xf32, #tpu.memory_space<hbm>>) target(%dma_start3A_801 : memref<128x64xf32, #tpu.memory_space<vmem>>) offsets(%dma_start3A_802 : memref<128xi32, #tpu.memory_space<vmem>>) semaphore(%dma_start3A_807 : memref<!tpu.dma_semaphore, #tpu.memory_space<semaphore_mem>>)
        %add3A_808 = arith.constant 3 : i32
        %add3A_809 = arith.addi %mul3A_318, %add3A_808 : i32
        %mul3A_810 = arith.constant 128 : i32
        %mul3A_811 = arith.muli %add3A_809, %mul3A_810 : i32
        %add3A_812 = arith.addi %mul3A_2, %mul3A_811 : i32
        %dma_wait3A_813 = arith.constant 3 : i32
        %dma_wait3A_814 = arith.constant 3 : i32
        %dma_wait3A_815 = arith.constant 0 : i32
        %dma_wait3A_816 = arith.constant 0 : i32
        %dma_wait3A_817 = tpu.memref_slice %arg6[%dma_wait3A_813, %dma_wait3A_815, %dma_wait3A_816] : memref<10x128x64xf32, #tpu.memory_space<vmem>> -> memref<1x128x64xf32, #tpu.memory_space<vmem>>
        %dma_wait3A_818 = tpu.memref_squeeze %dma_wait3A_817 : memref<1x128x64xf32, #tpu.memory_space<vmem>> -> memref<128x64xf32, #tpu.memory_space<vmem>>
        %dma_wait3A_819 = arith.constant 0 : i32
        %dma_wait3A_820 = tpu.memref_slice %arg4[%add3A_812, %dma_wait3A_819] : memref<204800x64xf32, #tpu.memory_space<hbm>> -> memref<128x64xf32, #tpu.memory_space<hbm>>
        %dma_wait3A_821 = tpu.memref_slice %arg8[%dma_wait3A_814] : memref<10x!tpu.dma_semaphore, #tpu.memory_space<semaphore_mem>> -> memref<1x!tpu.dma_semaphore, #tpu.memory_space<semaphore_mem>>
        %dma_wait3A_822 = tpu.memref_squeeze %dma_wait3A_821 : memref<1x!tpu.dma_semaphore, #tpu.memory_space<semaphore_mem>> -> memref<!tpu.dma_semaphore, #tpu.memory_space<semaphore_mem>>
        %dma_wait3A_823 = arith.constant 0 : i32
        %dma_wait3A_824 = tpu.memref_slice %arg4[%add3A_812, %dma_wait3A_823] : memref<204800x64xf32, #tpu.memory_space<hbm>> -> memref<128x64xf32, #tpu.memory_space<hbm>>
        %dma_wait3A_825 = arith.constant 0 : i32
        %dma_wait3A_826 = arith.constant 0 : i32
        %dma_wait3A_827 = tpu.memref_slice %arg6[%dma_wait3A_813, %dma_wait3A_825, %dma_wait3A_826] : memref<10x128x64xf32, #tpu.memory_space<vmem>> -> memref<1x128x64xf32, #tpu.memory_space<vmem>>
        %dma_wait3A_828 = tpu.memref_squeeze %dma_wait3A_827 : memref<1x128x64xf32, #tpu.memory_space<vmem>> -> memref<128x64xf32, #tpu.memory_space<vmem>>
        tpu.wait_dma2 semaphore(%dma_wait3A_822 : memref<!tpu.dma_semaphore, #tpu.memory_space<semaphore_mem>>) src(%dma_wait3A_828 : memref<128x64xf32, #tpu.memory_space<vmem>>) dst(%dma_wait3A_824 : memref<128x64xf32, #tpu.memory_space<hbm>>)
        %add3A_829 = arith.constant 10 : i32
        %add3A_830 = arith.addi %mul3A_318, %add3A_829 : i32
        %add3A_831 = arith.constant 3 : i32
        %add3A_832 = arith.addi %add3A_830, %add3A_831 : i32
        %mul3A_833 = arith.constant 128 : i32
        %mul3A_834 = arith.muli %add3A_832, %mul3A_833 : i32
        %dma_start3A_835 = arith.constant 3 : i32
        %dma_start3A_836 = arith.constant 3 : i32
        %dma_start3A_837 = arith.constant 0 : i32
        %dma_start3A_838 = arith.constant 0 : i32
        %dma_start3A_839 = tpu.memref_slice %arg6[%dma_start3A_835, %dma_start3A_837, %dma_start3A_838] : memref<10x128x64xf32, #tpu.memory_space<vmem>> -> memref<1x128x64xf32, #tpu.memory_space<vmem>>
        %dma_start3A_840 = tpu.memref_squeeze %dma_start3A_839 : memref<1x128x64xf32, #tpu.memory_space<vmem>> -> memref<128x64xf32, #tpu.memory_space<vmem>>
        %dma_start3A_841 = tpu.memref_slice %arg5[%mul3A_834] : memref<6400xi32, #tpu.memory_space<vmem>> -> memref<128xi32, #tpu.memory_space<vmem>>
        %dma_start3A_842 = arith.constant 0 : i32
        %dma_start3A_843 = arith.constant 0 : i32
        %dma_start3A_844 = tpu.memref_slice %arg2[%dma_start3A_842, %dma_start3A_843] : memref<100000x64xf32, #tpu.memory_space<hbm>> -> memref<100000x64xf32, #tpu.memory_space<hbm>>
        %dma_start3A_845 = tpu.memref_slice %arg7[%dma_start3A_836] : memref<10x!tpu.dma_semaphore, #tpu.memory_space<semaphore_mem>> -> memref<1x!tpu.dma_semaphore, #tpu.memory_space<semaphore_mem>>
        %dma_start3A_846 = tpu.memref_squeeze %dma_start3A_845 : memref<1x!tpu.dma_semaphore, #tpu.memory_space<semaphore_mem>> -> memref<!tpu.dma_semaphore, #tpu.memory_space<semaphore_mem>>
        tpu.enqueue_indirect_dma source(%dma_start3A_844 : memref<100000x64xf32, #tpu.memory_space<hbm>>) target(%dma_start3A_840 : memref<128x64xf32, #tpu.memory_space<vmem>>) offsets(%dma_start3A_841 : memref<128xi32, #tpu.memory_space<vmem>>) semaphore(%dma_start3A_846 : memref<!tpu.dma_semaphore, #tpu.memory_space<semaphore_mem>>)
        %add3A_847 = arith.constant 4 : i32
        %add3A_848 = arith.addi %mul3A_318, %add3A_847 : i32
        %mul3A_849 = arith.constant 128 : i32
        %mul3A_850 = arith.muli %add3A_848, %mul3A_849 : i32
        %add3A_851 = arith.addi %mul3A_2, %mul3A_850 : i32
        %dma_wait3A_852 = arith.constant 4 : i32
        %dma_wait3A_853 = arith.constant 4 : i32
        %dma_wait3A_854 = arith.constant 0 : i32
        %dma_wait3A_855 = arith.constant 0 : i32
        %dma_wait3A_856 = tpu.memref_slice %arg6[%dma_wait3A_852, %dma_wait3A_854, %dma_wait3A_855] : memref<10x128x64xf32, #tpu.memory_space<vmem>> -> memref<1x128x64xf32, #tpu.memory_space<vmem>>
        %dma_wait3A_857 = tpu.memref_squeeze %dma_wait3A_856 : memref<1x128x64xf32, #tpu.memory_space<vmem>> -> memref<128x64xf32, #tpu.memory_space<vmem>>
        %dma_wait3A_858 = arith.constant 0 : i32
        %dma_wait3A_859 = tpu.memref_slice %arg4[%add3A_851, %dma_wait3A_858] : memref<204800x64xf32, #tpu.memory_space<hbm>> -> memref<128x64xf32, #tpu.memory_space<hbm>>
        %dma_wait3A_860 = tpu.memref_slice %arg8[%dma_wait3A_853] : memref<10x!tpu.dma_semaphore, #tpu.memory_space<semaphore_mem>> -> memref<1x!tpu.dma_semaphore, #tpu.memory_space<semaphore_mem>>
        %dma_wait3A_861 = tpu.memref_squeeze %dma_wait3A_860 : memref<1x!tpu.dma_semaphore, #tpu.memory_space<semaphore_mem>> -> memref<!tpu.dma_semaphore, #tpu.memory_space<semaphore_mem>>
        %dma_wait3A_862 = arith.constant 0 : i32
        %dma_wait3A_863 = tpu.memref_slice %arg4[%add3A_851, %dma_wait3A_862] : memref<204800x64xf32, #tpu.memory_space<hbm>> -> memref<128x64xf32, #tpu.memory_space<hbm>>
        %dma_wait3A_864 = arith.constant 0 : i32
        %dma_wait3A_865 = arith.constant 0 : i32
        %dma_wait3A_866 = tpu.memref_slice %arg6[%dma_wait3A_852, %dma_wait3A_864, %dma_wait3A_865] : memref<10x128x64xf32, #tpu.memory_space<vmem>> -> memref<1x128x64xf32, #tpu.memory_space<vmem>>
        %dma_wait3A_867 = tpu.memref_squeeze %dma_wait3A_866 : memref<1x128x64xf32, #tpu.memory_space<vmem>> -> memref<128x64xf32, #tpu.memory_space<vmem>>
        tpu.wait_dma2 semaphore(%dma_wait3A_861 : memref<!tpu.dma_semaphore, #tpu.memory_space<semaphore_mem>>) src(%dma_wait3A_867 : memref<128x64xf32, #tpu.memory_space<vmem>>) dst(%dma_wait3A_863 : memref<128x64xf32, #tpu.memory_space<hbm>>)
        %add3A_868 = arith.constant 10 : i32
        %add3A_869 = arith.addi %mul3A_318, %add3A_868 : i32
        %add3A_870 = arith.constant 4 : i32
        %add3A_871 = arith.addi %add3A_869, %add3A_870 : i32
        %mul3A_872 = arith.constant 128 : i32
        %mul3A_873 = arith.muli %add3A_871, %mul3A_872 : i32
        %dma_start3A_874 = arith.constant 4 : i32
        %dma_start3A_875 = arith.constant 4 : i32
        %dma_start3A_876 = arith.constant 0 : i32
        %dma_start3A_877 = arith.constant 0 : i32
        %dma_start3A_878 = tpu.memref_slice %arg6[%dma_start3A_874, %dma_start3A_876, %dma_start3A_877] : memref<10x128x64xf32, #tpu.memory_space<vmem>> -> memref<1x128x64xf32, #tpu.memory_space<vmem>>
        %dma_start3A_879 = tpu.memref_squeeze %dma_start3A_878 : memref<1x128x64xf32, #tpu.memory_space<vmem>> -> memref<128x64xf32, #tpu.memory_space<vmem>>
        %dma_start3A_880 = tpu.memref_slice %arg5[%mul3A_873] : memref<6400xi32, #tpu.memory_space<vmem>> -> memref<128xi32, #tpu.memory_space<vmem>>
        %dma_start3A_881 = arith.constant 0 : i32
        %dma_start3A_882 = arith.constant 0 : i32
        %dma_start3A_883 = tpu.memref_slice %arg2[%dma_start3A_881, %dma_start3A_882] : memref<100000x64xf32, #tpu.memory_space<hbm>> -> memref<100000x64xf32, #tpu.memory_space<hbm>>
        %dma_start3A_884 = tpu.memref_slice %arg7[%dma_start3A_875] : memref<10x!tpu.dma_semaphore, #tpu.memory_space<semaphore_mem>> -> memref<1x!tpu.dma_semaphore, #tpu.memory_space<semaphore_mem>>
        %dma_start3A_885 = tpu.memref_squeeze %dma_start3A_884 : memref<1x!tpu.dma_semaphore, #tpu.memory_space<semaphore_mem>> -> memref<!tpu.dma_semaphore, #tpu.memory_space<semaphore_mem>>
        tpu.enqueue_indirect_dma source(%dma_start3A_883 : memref<100000x64xf32, #tpu.memory_space<hbm>>) target(%dma_start3A_879 : memref<128x64xf32, #tpu.memory_space<vmem>>) offsets(%dma_start3A_880 : memref<128xi32, #tpu.memory_space<vmem>>) semaphore(%dma_start3A_885 : memref<!tpu.dma_semaphore, #tpu.memory_space<semaphore_mem>>)
        %add3A_886 = arith.constant 5 : i32
        %add3A_887 = arith.addi %mul3A_318, %add3A_886 : i32
        %mul3A_888 = arith.constant 128 : i32
        %mul3A_889 = arith.muli %add3A_887, %mul3A_888 : i32
        %add3A_890 = arith.addi %mul3A_2, %mul3A_889 : i32
        %dma_wait3A_891 = arith.constant 5 : i32
        %dma_wait3A_892 = arith.constant 5 : i32
        %dma_wait3A_893 = arith.constant 0 : i32
        %dma_wait3A_894 = arith.constant 0 : i32
        %dma_wait3A_895 = tpu.memref_slice %arg6[%dma_wait3A_891, %dma_wait3A_893, %dma_wait3A_894] : memref<10x128x64xf32, #tpu.memory_space<vmem>> -> memref<1x128x64xf32, #tpu.memory_space<vmem>>
        %dma_wait3A_896 = tpu.memref_squeeze %dma_wait3A_895 : memref<1x128x64xf32, #tpu.memory_space<vmem>> -> memref<128x64xf32, #tpu.memory_space<vmem>>
        %dma_wait3A_897 = arith.constant 0 : i32
        %dma_wait3A_898 = tpu.memref_slice %arg4[%add3A_890, %dma_wait3A_897] : memref<204800x64xf32, #tpu.memory_space<hbm>> -> memref<128x64xf32, #tpu.memory_space<hbm>>
        %dma_wait3A_899 = tpu.memref_slice %arg8[%dma_wait3A_892] : memref<10x!tpu.dma_semaphore, #tpu.memory_space<semaphore_mem>> -> memref<1x!tpu.dma_semaphore, #tpu.memory_space<semaphore_mem>>
        %dma_wait3A_900 = tpu.memref_squeeze %dma_wait3A_899 : memref<1x!tpu.dma_semaphore, #tpu.memory_space<semaphore_mem>> -> memref<!tpu.dma_semaphore, #tpu.memory_space<semaphore_mem>>
        %dma_wait3A_901 = arith.constant 0 : i32
        %dma_wait3A_902 = tpu.memref_slice %arg4[%add3A_890, %dma_wait3A_901] : memref<204800x64xf32, #tpu.memory_space<hbm>> -> memref<128x64xf32, #tpu.memory_space<hbm>>
        %dma_wait3A_903 = arith.constant 0 : i32
        %dma_wait3A_904 = arith.constant 0 : i32
        %dma_wait3A_905 = tpu.memref_slice %arg6[%dma_wait3A_891, %dma_wait3A_903, %dma_wait3A_904] : memref<10x128x64xf32, #tpu.memory_space<vmem>> -> memref<1x128x64xf32, #tpu.memory_space<vmem>>
        %dma_wait3A_906 = tpu.memref_squeeze %dma_wait3A_905 : memref<1x128x64xf32, #tpu.memory_space<vmem>> -> memref<128x64xf32, #tpu.memory_space<vmem>>
        tpu.wait_dma2 semaphore(%dma_wait3A_900 : memref<!tpu.dma_semaphore, #tpu.memory_space<semaphore_mem>>) src(%dma_wait3A_906 : memref<128x64xf32, #tpu.memory_space<vmem>>) dst(%dma_wait3A_902 : memref<128x64xf32, #tpu.memory_space<hbm>>)
        %add3A_907 = arith.constant 10 : i32
        %add3A_908 = arith.addi %mul3A_318, %add3A_907 : i32
        %add3A_909 = arith.constant 5 : i32
        %add3A_910 = arith.addi %add3A_908, %add3A_909 : i32
        %mul3A_911 = arith.constant 128 : i32
        %mul3A_912 = arith.muli %add3A_910, %mul3A_911 : i32
        %dma_start3A_913 = arith.constant 5 : i32
        %dma_start3A_914 = arith.constant 5 : i32
        %dma_start3A_915 = arith.constant 0 : i32
        %dma_start3A_916 = arith.constant 0 : i32
        %dma_start3A_917 = tpu.memref_slice %arg6[%dma_start3A_913, %dma_start3A_915, %dma_start3A_916] : memref<10x128x64xf32, #tpu.memory_space<vmem>> -> memref<1x128x64xf32, #tpu.memory_space<vmem>>
        %dma_start3A_918 = tpu.memref_squeeze %dma_start3A_917 : memref<1x128x64xf32, #tpu.memory_space<vmem>> -> memref<128x64xf32, #tpu.memory_space<vmem>>
        %dma_start3A_919 = tpu.memref_slice %arg5[%mul3A_912] : memref<6400xi32, #tpu.memory_space<vmem>> -> memref<128xi32, #tpu.memory_space<vmem>>
        %dma_start3A_920 = arith.constant 0 : i32
        %dma_start3A_921 = arith.constant 0 : i32
        %dma_start3A_922 = tpu.memref_slice %arg2[%dma_start3A_920, %dma_start3A_921] : memref<100000x64xf32, #tpu.memory_space<hbm>> -> memref<100000x64xf32, #tpu.memory_space<hbm>>
        %dma_start3A_923 = tpu.memref_slice %arg7[%dma_start3A_914] : memref<10x!tpu.dma_semaphore, #tpu.memory_space<semaphore_mem>> -> memref<1x!tpu.dma_semaphore, #tpu.memory_space<semaphore_mem>>
        %dma_start3A_924 = tpu.memref_squeeze %dma_start3A_923 : memref<1x!tpu.dma_semaphore, #tpu.memory_space<semaphore_mem>> -> memref<!tpu.dma_semaphore, #tpu.memory_space<semaphore_mem>>
        tpu.enqueue_indirect_dma source(%dma_start3A_922 : memref<100000x64xf32, #tpu.memory_space<hbm>>) target(%dma_start3A_918 : memref<128x64xf32, #tpu.memory_space<vmem>>) offsets(%dma_start3A_919 : memref<128xi32, #tpu.memory_space<vmem>>) semaphore(%dma_start3A_924 : memref<!tpu.dma_semaphore, #tpu.memory_space<semaphore_mem>>)
        %add3A_925 = arith.constant 6 : i32
        %add3A_926 = arith.addi %mul3A_318, %add3A_925 : i32
        %mul3A_927 = arith.constant 128 : i32
        %mul3A_928 = arith.muli %add3A_926, %mul3A_927 : i32
        %add3A_929 = arith.addi %mul3A_2, %mul3A_928 : i32
        %dma_wait3A_930 = arith.constant 6 : i32
        %dma_wait3A_931 = arith.constant 6 : i32
        %dma_wait3A_932 = arith.constant 0 : i32
        %dma_wait3A_933 = arith.constant 0 : i32
        %dma_wait3A_934 = tpu.memref_slice %arg6[%dma_wait3A_930, %dma_wait3A_932, %dma_wait3A_933] : memref<10x128x64xf32, #tpu.memory_space<vmem>> -> memref<1x128x64xf32, #tpu.memory_space<vmem>>
        %dma_wait3A_935 = tpu.memref_squeeze %dma_wait3A_934 : memref<1x128x64xf32, #tpu.memory_space<vmem>> -> memref<128x64xf32, #tpu.memory_space<vmem>>
        %dma_wait3A_936 = arith.constant 0 : i32
        %dma_wait3A_937 = tpu.memref_slice %arg4[%add3A_929, %dma_wait3A_936] : memref<204800x64xf32, #tpu.memory_space<hbm>> -> memref<128x64xf32, #tpu.memory_space<hbm>>
        %dma_wait3A_938 = tpu.memref_slice %arg8[%dma_wait3A_931] : memref<10x!tpu.dma_semaphore, #tpu.memory_space<semaphore_mem>> -> memref<1x!tpu.dma_semaphore, #tpu.memory_space<semaphore_mem>>
        %dma_wait3A_939 = tpu.memref_squeeze %dma_wait3A_938 : memref<1x!tpu.dma_semaphore, #tpu.memory_space<semaphore_mem>> -> memref<!tpu.dma_semaphore, #tpu.memory_space<semaphore_mem>>
        %dma_wait3A_940 = arith.constant 0 : i32
        %dma_wait3A_941 = tpu.memref_slice %arg4[%add3A_929, %dma_wait3A_940] : memref<204800x64xf32, #tpu.memory_space<hbm>> -> memref<128x64xf32, #tpu.memory_space<hbm>>
        %dma_wait3A_942 = arith.constant 0 : i32
        %dma_wait3A_943 = arith.constant 0 : i32
        %dma_wait3A_944 = tpu.memref_slice %arg6[%dma_wait3A_930, %dma_wait3A_942, %dma_wait3A_943] : memref<10x128x64xf32, #tpu.memory_space<vmem>> -> memref<1x128x64xf32, #tpu.memory_space<vmem>>
        %dma_wait3A_945 = tpu.memref_squeeze %dma_wait3A_944 : memref<1x128x64xf32, #tpu.memory_space<vmem>> -> memref<128x64xf32, #tpu.memory_space<vmem>>
        tpu.wait_dma2 semaphore(%dma_wait3A_939 : memref<!tpu.dma_semaphore, #tpu.memory_space<semaphore_mem>>) src(%dma_wait3A_945 : memref<128x64xf32, #tpu.memory_space<vmem>>) dst(%dma_wait3A_941 : memref<128x64xf32, #tpu.memory_space<hbm>>)
        %add3A_946 = arith.constant 10 : i32
        %add3A_947 = arith.addi %mul3A_318, %add3A_946 : i32
        %add3A_948 = arith.constant 6 : i32
        %add3A_949 = arith.addi %add3A_947, %add3A_948 : i32
        %mul3A_950 = arith.constant 128 : i32
        %mul3A_951 = arith.muli %add3A_949, %mul3A_950 : i32
        %dma_start3A_952 = arith.constant 6 : i32
        %dma_start3A_953 = arith.constant 6 : i32
        %dma_start3A_954 = arith.constant 0 : i32
        %dma_start3A_955 = arith.constant 0 : i32
        %dma_start3A_956 = tpu.memref_slice %arg6[%dma_start3A_952, %dma_start3A_954, %dma_start3A_955] : memref<10x128x64xf32, #tpu.memory_space<vmem>> -> memref<1x128x64xf32, #tpu.memory_space<vmem>>
        %dma_start3A_957 = tpu.memref_squeeze %dma_start3A_956 : memref<1x128x64xf32, #tpu.memory_space<vmem>> -> memref<128x64xf32, #tpu.memory_space<vmem>>
        %dma_start3A_958 = tpu.memref_slice %arg5[%mul3A_951] : memref<6400xi32, #tpu.memory_space<vmem>> -> memref<128xi32, #tpu.memory_space<vmem>>
        %dma_start3A_959 = arith.constant 0 : i32
        %dma_start3A_960 = arith.constant 0 : i32
        %dma_start3A_961 = tpu.memref_slice %arg2[%dma_start3A_959, %dma_start3A_960] : memref<100000x64xf32, #tpu.memory_space<hbm>> -> memref<100000x64xf32, #tpu.memory_space<hbm>>
        %dma_start3A_962 = tpu.memref_slice %arg7[%dma_start3A_953] : memref<10x!tpu.dma_semaphore, #tpu.memory_space<semaphore_mem>> -> memref<1x!tpu.dma_semaphore, #tpu.memory_space<semaphore_mem>>
        %dma_start3A_963 = tpu.memref_squeeze %dma_start3A_962 : memref<1x!tpu.dma_semaphore, #tpu.memory_space<semaphore_mem>> -> memref<!tpu.dma_semaphore, #tpu.memory_space<semaphore_mem>>
        tpu.enqueue_indirect_dma source(%dma_start3A_961 : memref<100000x64xf32, #tpu.memory_space<hbm>>) target(%dma_start3A_957 : memref<128x64xf32, #tpu.memory_space<vmem>>) offsets(%dma_start3A_958 : memref<128xi32, #tpu.memory_space<vmem>>) semaphore(%dma_start3A_963 : memref<!tpu.dma_semaphore, #tpu.memory_space<semaphore_mem>>)
        %add3A_964 = arith.constant 7 : i32
        %add3A_965 = arith.addi %mul3A_318, %add3A_964 : i32
        %mul3A_966 = arith.constant 128 : i32
        %mul3A_967 = arith.muli %add3A_965, %mul3A_966 : i32
        %add3A_968 = arith.addi %mul3A_2, %mul3A_967 : i32
        %dma_wait3A_969 = arith.constant 7 : i32
        %dma_wait3A_970 = arith.constant 7 : i32
        %dma_wait3A_971 = arith.constant 0 : i32
        %dma_wait3A_972 = arith.constant 0 : i32
        %dma_wait3A_973 = tpu.memref_slice %arg6[%dma_wait3A_969, %dma_wait3A_971, %dma_wait3A_972] : memref<10x128x64xf32, #tpu.memory_space<vmem>> -> memref<1x128x64xf32, #tpu.memory_space<vmem>>
        %dma_wait3A_974 = tpu.memref_squeeze %dma_wait3A_973 : memref<1x128x64xf32, #tpu.memory_space<vmem>> -> memref<128x64xf32, #tpu.memory_space<vmem>>
        %dma_wait3A_975 = arith.constant 0 : i32
        %dma_wait3A_976 = tpu.memref_slice %arg4[%add3A_968, %dma_wait3A_975] : memref<204800x64xf32, #tpu.memory_space<hbm>> -> memref<128x64xf32, #tpu.memory_space<hbm>>
        %dma_wait3A_977 = tpu.memref_slice %arg8[%dma_wait3A_970] : memref<10x!tpu.dma_semaphore, #tpu.memory_space<semaphore_mem>> -> memref<1x!tpu.dma_semaphore, #tpu.memory_space<semaphore_mem>>
        %dma_wait3A_978 = tpu.memref_squeeze %dma_wait3A_977 : memref<1x!tpu.dma_semaphore, #tpu.memory_space<semaphore_mem>> -> memref<!tpu.dma_semaphore, #tpu.memory_space<semaphore_mem>>
        %dma_wait3A_979 = arith.constant 0 : i32
        %dma_wait3A_980 = tpu.memref_slice %arg4[%add3A_968, %dma_wait3A_979] : memref<204800x64xf32, #tpu.memory_space<hbm>> -> memref<128x64xf32, #tpu.memory_space<hbm>>
        %dma_wait3A_981 = arith.constant 0 : i32
        %dma_wait3A_982 = arith.constant 0 : i32
        %dma_wait3A_983 = tpu.memref_slice %arg6[%dma_wait3A_969, %dma_wait3A_981, %dma_wait3A_982] : memref<10x128x64xf32, #tpu.memory_space<vmem>> -> memref<1x128x64xf32, #tpu.memory_space<vmem>>
        %dma_wait3A_984 = tpu.memref_squeeze %dma_wait3A_983 : memref<1x128x64xf32, #tpu.memory_space<vmem>> -> memref<128x64xf32, #tpu.memory_space<vmem>>
        tpu.wait_dma2 semaphore(%dma_wait3A_978 : memref<!tpu.dma_semaphore, #tpu.memory_space<semaphore_mem>>) src(%dma_wait3A_984 : memref<128x64xf32, #tpu.memory_space<vmem>>) dst(%dma_wait3A_980 : memref<128x64xf32, #tpu.memory_space<hbm>>)
        %add3A_985 = arith.constant 10 : i32
        %add3A_986 = arith.addi %mul3A_318, %add3A_985 : i32
        %add3A_987 = arith.constant 7 : i32
        %add3A_988 = arith.addi %add3A_986, %add3A_987 : i32
        %mul3A_989 = arith.constant 128 : i32
        %mul3A_990 = arith.muli %add3A_988, %mul3A_989 : i32
        %dma_start3A_991 = arith.constant 7 : i32
        %dma_start3A_992 = arith.constant 7 : i32
        %dma_start3A_993 = arith.constant 0 : i32
        %dma_start3A_994 = arith.constant 0 : i32
        %dma_start3A_995 = tpu.memref_slice %arg6[%dma_start3A_991, %dma_start3A_993, %dma_start3A_994] : memref<10x128x64xf32, #tpu.memory_space<vmem>> -> memref<1x128x64xf32, #tpu.memory_space<vmem>>
        %dma_start3A_996 = tpu.memref_squeeze %dma_start3A_995 : memref<1x128x64xf32, #tpu.memory_space<vmem>> -> memref<128x64xf32, #tpu.memory_space<vmem>>
        %dma_start3A_997 = tpu.memref_slice %arg5[%mul3A_990] : memref<6400xi32, #tpu.memory_space<vmem>> -> memref<128xi32, #tpu.memory_space<vmem>>
        %dma_start3A_998 = arith.constant 0 : i32
        %dma_start3A_999 = arith.constant 0 : i32
        %dma_start3A_1000 = tpu.memref_slice %arg2[%dma_start3A_998, %dma_start3A_999] : memref<100000x64xf32, #tpu.memory_space<hbm>> -> memref<100000x64xf32, #tpu.memory_space<hbm>>
        %dma_start3A_1001 = tpu.memref_slice %arg7[%dma_start3A_992] : memref<10x!tpu.dma_semaphore, #tpu.memory_space<semaphore_mem>> -> memref<1x!tpu.dma_semaphore, #tpu.memory_space<semaphore_mem>>
        %dma_start3A_1002 = tpu.memref_squeeze %dma_start3A_1001 : memref<1x!tpu.dma_semaphore, #tpu.memory_space<semaphore_mem>> -> memref<!tpu.dma_semaphore, #tpu.memory_space<semaphore_mem>>
        tpu.enqueue_indirect_dma source(%dma_start3A_1000 : memref<100000x64xf32, #tpu.memory_space<hbm>>) target(%dma_start3A_996 : memref<128x64xf32, #tpu.memory_space<vmem>>) offsets(%dma_start3A_997 : memref<128xi32, #tpu.memory_space<vmem>>) semaphore(%dma_start3A_1002 : memref<!tpu.dma_semaphore, #tpu.memory_space<semaphore_mem>>)
        %add3A_1003 = arith.constant 8 : i32
        %add3A_1004 = arith.addi %mul3A_318, %add3A_1003 : i32
        %mul3A_1005 = arith.constant 128 : i32
        %mul3A_1006 = arith.muli %add3A_1004, %mul3A_1005 : i32
        %add3A_1007 = arith.addi %mul3A_2, %mul3A_1006 : i32
        %dma_wait3A_1008 = arith.constant 8 : i32
        %dma_wait3A_1009 = arith.constant 8 : i32
        %dma_wait3A_1010 = arith.constant 0 : i32
        %dma_wait3A_1011 = arith.constant 0 : i32
        %dma_wait3A_1012 = tpu.memref_slice %arg6[%dma_wait3A_1008, %dma_wait3A_1010, %dma_wait3A_1011] : memref<10x128x64xf32, #tpu.memory_space<vmem>> -> memref<1x128x64xf32, #tpu.memory_space<vmem>>
        %dma_wait3A_1013 = tpu.memref_squeeze %dma_wait3A_1012 : memref<1x128x64xf32, #tpu.memory_space<vmem>> -> memref<128x64xf32, #tpu.memory_space<vmem>>
        %dma_wait3A_1014 = arith.constant 0 : i32
        %dma_wait3A_1015 = tpu.memref_slice %arg4[%add3A_1007, %dma_wait3A_1014] : memref<204800x64xf32, #tpu.memory_space<hbm>> -> memref<128x64xf32, #tpu.memory_space<hbm>>
        %dma_wait3A_1016 = tpu.memref_slice %arg8[%dma_wait3A_1009] : memref<10x!tpu.dma_semaphore, #tpu.memory_space<semaphore_mem>> -> memref<1x!tpu.dma_semaphore, #tpu.memory_space<semaphore_mem>>
        %dma_wait3A_1017 = tpu.memref_squeeze %dma_wait3A_1016 : memref<1x!tpu.dma_semaphore, #tpu.memory_space<semaphore_mem>> -> memref<!tpu.dma_semaphore, #tpu.memory_space<semaphore_mem>>
        %dma_wait3A_1018 = arith.constant 0 : i32
        %dma_wait3A_1019 = tpu.memref_slice %arg4[%add3A_1007, %dma_wait3A_1018] : memref<204800x64xf32, #tpu.memory_space<hbm>> -> memref<128x64xf32, #tpu.memory_space<hbm>>
        %dma_wait3A_1020 = arith.constant 0 : i32
        %dma_wait3A_1021 = arith.constant 0 : i32
        %dma_wait3A_1022 = tpu.memref_slice %arg6[%dma_wait3A_1008, %dma_wait3A_1020, %dma_wait3A_1021] : memref<10x128x64xf32, #tpu.memory_space<vmem>> -> memref<1x128x64xf32, #tpu.memory_space<vmem>>
        %dma_wait3A_1023 = tpu.memref_squeeze %dma_wait3A_1022 : memref<1x128x64xf32, #tpu.memory_space<vmem>> -> memref<128x64xf32, #tpu.memory_space<vmem>>
        tpu.wait_dma2 semaphore(%dma_wait3A_1017 : memref<!tpu.dma_semaphore, #tpu.memory_space<semaphore_mem>>) src(%dma_wait3A_1023 : memref<128x64xf32, #tpu.memory_space<vmem>>) dst(%dma_wait3A_1019 : memref<128x64xf32, #tpu.memory_space<hbm>>)
        %add3A_1024 = arith.constant 10 : i32
        %add3A_1025 = arith.addi %mul3A_318, %add3A_1024 : i32
        %add3A_1026 = arith.constant 8 : i32
        %add3A_1027 = arith.addi %add3A_1025, %add3A_1026 : i32
        %mul3A_1028 = arith.constant 128 : i32
        %mul3A_1029 = arith.muli %add3A_1027, %mul3A_1028 : i32
        %dma_start3A_1030 = arith.constant 8 : i32
        %dma_start3A_1031 = arith.constant 8 : i32
        %dma_start3A_1032 = arith.constant 0 : i32
        %dma_start3A_1033 = arith.constant 0 : i32
        %dma_start3A_1034 = tpu.memref_slice %arg6[%dma_start3A_1030, %dma_start3A_1032, %dma_start3A_1033] : memref<10x128x64xf32, #tpu.memory_space<vmem>> -> memref<1x128x64xf32, #tpu.memory_space<vmem>>
        %dma_start3A_1035 = tpu.memref_squeeze %dma_start3A_1034 : memref<1x128x64xf32, #tpu.memory_space<vmem>> -> memref<128x64xf32, #tpu.memory_space<vmem>>
        %dma_start3A_1036 = tpu.memref_slice %arg5[%mul3A_1029] : memref<6400xi32, #tpu.memory_space<vmem>> -> memref<128xi32, #tpu.memory_space<vmem>>
        %dma_start3A_1037 = arith.constant 0 : i32
        %dma_start3A_1038 = arith.constant 0 : i32
        %dma_start3A_1039 = tpu.memref_slice %arg2[%dma_start3A_1037, %dma_start3A_1038] : memref<100000x64xf32, #tpu.memory_space<hbm>> -> memref<100000x64xf32, #tpu.memory_space<hbm>>
        %dma_start3A_1040 = tpu.memref_slice %arg7[%dma_start3A_1031] : memref<10x!tpu.dma_semaphore, #tpu.memory_space<semaphore_mem>> -> memref<1x!tpu.dma_semaphore, #tpu.memory_space<semaphore_mem>>
        %dma_start3A_1041 = tpu.memref_squeeze %dma_start3A_1040 : memref<1x!tpu.dma_semaphore, #tpu.memory_space<semaphore_mem>> -> memref<!tpu.dma_semaphore, #tpu.memory_space<semaphore_mem>>
        tpu.enqueue_indirect_dma source(%dma_start3A_1039 : memref<100000x64xf32, #tpu.memory_space<hbm>>) target(%dma_start3A_1035 : memref<128x64xf32, #tpu.memory_space<vmem>>) offsets(%dma_start3A_1036 : memref<128xi32, #tpu.memory_space<vmem>>) semaphore(%dma_start3A_1041 : memref<!tpu.dma_semaphore, #tpu.memory_space<semaphore_mem>>)
        %add3A_1042 = arith.constant 9 : i32
        %add3A_1043 = arith.addi %mul3A_318, %add3A_1042 : i32
        %mul3A_1044 = arith.constant 128 : i32
        %mul3A_1045 = arith.muli %add3A_1043, %mul3A_1044 : i32
        %add3A_1046 = arith.addi %mul3A_2, %mul3A_1045 : i32
        %dma_wait3A_1047 = arith.constant 9 : i32
        %dma_wait3A_1048 = arith.constant 9 : i32
        %dma_wait3A_1049 = arith.constant 0 : i32
        %dma_wait3A_1050 = arith.constant 0 : i32
        %dma_wait3A_1051 = tpu.memref_slice %arg6[%dma_wait3A_1047, %dma_wait3A_1049, %dma_wait3A_1050] : memref<10x128x64xf32, #tpu.memory_space<vmem>> -> memref<1x128x64xf32, #tpu.memory_space<vmem>>
        %dma_wait3A_1052 = tpu.memref_squeeze %dma_wait3A_1051 : memref<1x128x64xf32, #tpu.memory_space<vmem>> -> memref<128x64xf32, #tpu.memory_space<vmem>>
        %dma_wait3A_1053 = arith.constant 0 : i32
        %dma_wait3A_1054 = tpu.memref_slice %arg4[%add3A_1046, %dma_wait3A_1053] : memref<204800x64xf32, #tpu.memory_space<hbm>> -> memref<128x64xf32, #tpu.memory_space<hbm>>
        %dma_wait3A_1055 = tpu.memref_slice %arg8[%dma_wait3A_1048] : memref<10x!tpu.dma_semaphore, #tpu.memory_space<semaphore_mem>> -> memref<1x!tpu.dma_semaphore, #tpu.memory_space<semaphore_mem>>
        %dma_wait3A_1056 = tpu.memref_squeeze %dma_wait3A_1055 : memref<1x!tpu.dma_semaphore, #tpu.memory_space<semaphore_mem>> -> memref<!tpu.dma_semaphore, #tpu.memory_space<semaphore_mem>>
        %dma_wait3A_1057 = arith.constant 0 : i32
        %dma_wait3A_1058 = tpu.memref_slice %arg4[%add3A_1046, %dma_wait3A_1057] : memref<204800x64xf32, #tpu.memory_space<hbm>> -> memref<128x64xf32, #tpu.memory_space<hbm>>
        %dma_wait3A_1059 = arith.constant 0 : i32
        %dma_wait3A_1060 = arith.constant 0 : i32
        %dma_wait3A_1061 = tpu.memref_slice %arg6[%dma_wait3A_1047, %dma_wait3A_1059, %dma_wait3A_1060] : memref<10x128x64xf32, #tpu.memory_space<vmem>> -> memref<1x128x64xf32, #tpu.memory_space<vmem>>
        %dma_wait3A_1062 = tpu.memref_squeeze %dma_wait3A_1061 : memref<1x128x64xf32, #tpu.memory_space<vmem>> -> memref<128x64xf32, #tpu.memory_space<vmem>>
        tpu.wait_dma2 semaphore(%dma_wait3A_1056 : memref<!tpu.dma_semaphore, #tpu.memory_space<semaphore_mem>>) src(%dma_wait3A_1062 : memref<128x64xf32, #tpu.memory_space<vmem>>) dst(%dma_wait3A_1058 : memref<128x64xf32, #tpu.memory_space<hbm>>)
        %add3A_1063 = arith.constant 10 : i32
        %add3A_1064 = arith.addi %mul3A_318, %add3A_1063 : i32
        %add3A_1065 = arith.constant 9 : i32
        %add3A_1066 = arith.addi %add3A_1064, %add3A_1065 : i32
        %mul3A_1067 = arith.constant 128 : i32
        %mul3A_1068 = arith.muli %add3A_1066, %mul3A_1067 : i32
        %dma_start3A_1069 = arith.constant 9 : i32
        %dma_start3A_1070 = arith.constant 9 : i32
        %dma_start3A_1071 = arith.constant 0 : i32
        %dma_start3A_1072 = arith.constant 0 : i32
        %dma_start3A_1073 = tpu.memref_slice %arg6[%dma_start3A_1069, %dma_start3A_1071, %dma_start3A_1072] : memref<10x128x64xf32, #tpu.memory_space<vmem>> -> memref<1x128x64xf32, #tpu.memory_space<vmem>>
        %dma_start3A_1074 = tpu.memref_squeeze %dma_start3A_1073 : memref<1x128x64xf32, #tpu.memory_space<vmem>> -> memref<128x64xf32, #tpu.memory_space<vmem>>
        %dma_start3A_1075 = tpu.memref_slice %arg5[%mul3A_1068] : memref<6400xi32, #tpu.memory_space<vmem>> -> memref<128xi32, #tpu.memory_space<vmem>>
        %dma_start3A_1076 = arith.constant 0 : i32
        %dma_start3A_1077 = arith.constant 0 : i32
        %dma_start3A_1078 = tpu.memref_slice %arg2[%dma_start3A_1076, %dma_start3A_1077] : memref<100000x64xf32, #tpu.memory_space<hbm>> -> memref<100000x64xf32, #tpu.memory_space<hbm>>
        %dma_start3A_1079 = tpu.memref_slice %arg7[%dma_start3A_1070] : memref<10x!tpu.dma_semaphore, #tpu.memory_space<semaphore_mem>> -> memref<1x!tpu.dma_semaphore, #tpu.memory_space<semaphore_mem>>
        %dma_start3A_1080 = tpu.memref_squeeze %dma_start3A_1079 : memref<1x!tpu.dma_semaphore, #tpu.memory_space<semaphore_mem>> -> memref<!tpu.dma_semaphore, #tpu.memory_space<semaphore_mem>>
        tpu.enqueue_indirect_dma source(%dma_start3A_1078 : memref<100000x64xf32, #tpu.memory_space<hbm>>) target(%dma_start3A_1074 : memref<128x64xf32, #tpu.memory_space<vmem>>) offsets(%dma_start3A_1075 : memref<128xi32, #tpu.memory_space<vmem>>) semaphore(%dma_start3A_1080 : memref<!tpu.dma_semaphore, #tpu.memory_space<semaphore_mem>>)
      } else {
      }
    }
    %scan3A_136 = arith.constant 5 : i32
    %add3A_137 = arith.constant 5120 : i32
    %add3A_138 = arith.addi %mul3A_2, %add3A_137 : i32
    %dma_wait3A = arith.constant 0 : i32
    %dma_wait3A_139 = arith.constant 0 : i32
    %dma_wait3A_140 = arith.constant 0 : i32
    %dma_wait3A_141 = arith.constant 0 : i32
    %dma_wait3A_142 = tpu.memref_slice %arg6[%dma_wait3A, %dma_wait3A_140, %dma_wait3A_141] : memref<10x128x64xf32, #tpu.memory_space<vmem>> -> memref<1x128x64xf32, #tpu.memory_space<vmem>>
    %dma_wait3A_143 = tpu.memref_squeeze %dma_wait3A_142 : memref<1x128x64xf32, #tpu.memory_space<vmem>> -> memref<128x64xf32, #tpu.memory_space<vmem>>
    %dma_wait3A_144 = arith.constant 0 : i32
    %dma_wait3A_145 = tpu.memref_slice %arg4[%add3A_138, %dma_wait3A_144] : memref<204800x64xf32, #tpu.memory_space<hbm>> -> memref<128x64xf32, #tpu.memory_space<hbm>>
    %dma_wait3A_146 = tpu.memref_slice %arg8[%dma_wait3A_139] : memref<10x!tpu.dma_semaphore, #tpu.memory_space<semaphore_mem>> -> memref<1x!tpu.dma_semaphore, #tpu.memory_space<semaphore_mem>>
    %dma_wait3A_147 = tpu.memref_squeeze %dma_wait3A_146 : memref<1x!tpu.dma_semaphore, #tpu.memory_space<semaphore_mem>> -> memref<!tpu.dma_semaphore, #tpu.memory_space<semaphore_mem>>
    %dma_wait3A_148 = arith.constant 0 : i32
    %dma_wait3A_149 = tpu.memref_slice %arg4[%add3A_138, %dma_wait3A_148] : memref<204800x64xf32, #tpu.memory_space<hbm>> -> memref<128x64xf32, #tpu.memory_space<hbm>>
    %dma_wait3A_150 = arith.constant 0 : i32
    %dma_wait3A_151 = arith.constant 0 : i32
    %dma_wait3A_152 = tpu.memref_slice %arg6[%dma_wait3A, %dma_wait3A_150, %dma_wait3A_151] : memref<10x128x64xf32, #tpu.memory_space<vmem>> -> memref<1x128x64xf32, #tpu.memory_space<vmem>>
    %dma_wait3A_153 = tpu.memref_squeeze %dma_wait3A_152 : memref<1x128x64xf32, #tpu.memory_space<vmem>> -> memref<128x64xf32, #tpu.memory_space<vmem>>
    tpu.wait_dma2 semaphore(%dma_wait3A_147 : memref<!tpu.dma_semaphore, #tpu.memory_space<semaphore_mem>>) src(%dma_wait3A_153 : memref<128x64xf32, #tpu.memory_space<vmem>>) dst(%dma_wait3A_149 : memref<128x64xf32, #tpu.memory_space<hbm>>)
    %add3A_154 = arith.constant 5248 : i32
    %add3A_155 = arith.addi %mul3A_2, %add3A_154 : i32
    %dma_wait3A_156 = arith.constant 1 : i32
    %dma_wait3A_157 = arith.constant 1 : i32
    %dma_wait3A_158 = arith.constant 0 : i32
    %dma_wait3A_159 = arith.constant 0 : i32
    %dma_wait3A_160 = tpu.memref_slice %arg6[%dma_wait3A_156, %dma_wait3A_158, %dma_wait3A_159] : memref<10x128x64xf32, #tpu.memory_space<vmem>> -> memref<1x128x64xf32, #tpu.memory_space<vmem>>
    %dma_wait3A_161 = tpu.memref_squeeze %dma_wait3A_160 : memref<1x128x64xf32, #tpu.memory_space<vmem>> -> memref<128x64xf32, #tpu.memory_space<vmem>>
    %dma_wait3A_162 = arith.constant 0 : i32
    %dma_wait3A_163 = tpu.memref_slice %arg4[%add3A_155, %dma_wait3A_162] : memref<204800x64xf32, #tpu.memory_space<hbm>> -> memref<128x64xf32, #tpu.memory_space<hbm>>
    %dma_wait3A_164 = tpu.memref_slice %arg8[%dma_wait3A_157] : memref<10x!tpu.dma_semaphore, #tpu.memory_space<semaphore_mem>> -> memref<1x!tpu.dma_semaphore, #tpu.memory_space<semaphore_mem>>
    %dma_wait3A_165 = tpu.memref_squeeze %dma_wait3A_164 : memref<1x!tpu.dma_semaphore, #tpu.memory_space<semaphore_mem>> -> memref<!tpu.dma_semaphore, #tpu.memory_space<semaphore_mem>>
    %dma_wait3A_166 = arith.constant 0 : i32
    %dma_wait3A_167 = tpu.memref_slice %arg4[%add3A_155, %dma_wait3A_166] : memref<204800x64xf32, #tpu.memory_space<hbm>> -> memref<128x64xf32, #tpu.memory_space<hbm>>
    %dma_wait3A_168 = arith.constant 0 : i32
    %dma_wait3A_169 = arith.constant 0 : i32
    %dma_wait3A_170 = tpu.memref_slice %arg6[%dma_wait3A_156, %dma_wait3A_168, %dma_wait3A_169] : memref<10x128x64xf32, #tpu.memory_space<vmem>> -> memref<1x128x64xf32, #tpu.memory_space<vmem>>
    %dma_wait3A_171 = tpu.memref_squeeze %dma_wait3A_170 : memref<1x128x64xf32, #tpu.memory_space<vmem>> -> memref<128x64xf32, #tpu.memory_space<vmem>>
    tpu.wait_dma2 semaphore(%dma_wait3A_165 : memref<!tpu.dma_semaphore, #tpu.memory_space<semaphore_mem>>) src(%dma_wait3A_171 : memref<128x64xf32, #tpu.memory_space<vmem>>) dst(%dma_wait3A_167 : memref<128x64xf32, #tpu.memory_space<hbm>>)
    %add3A_172 = arith.constant 5376 : i32
    %add3A_173 = arith.addi %mul3A_2, %add3A_172 : i32
    %dma_wait3A_174 = arith.constant 2 : i32
    %dma_wait3A_175 = arith.constant 2 : i32
    %dma_wait3A_176 = arith.constant 0 : i32
    %dma_wait3A_177 = arith.constant 0 : i32
    %dma_wait3A_178 = tpu.memref_slice %arg6[%dma_wait3A_174, %dma_wait3A_176, %dma_wait3A_177] : memref<10x128x64xf32, #tpu.memory_space<vmem>> -> memref<1x128x64xf32, #tpu.memory_space<vmem>>
    %dma_wait3A_179 = tpu.memref_squeeze %dma_wait3A_178 : memref<1x128x64xf32, #tpu.memory_space<vmem>> -> memref<128x64xf32, #tpu.memory_space<vmem>>
    %dma_wait3A_180 = arith.constant 0 : i32
    %dma_wait3A_181 = tpu.memref_slice %arg4[%add3A_173, %dma_wait3A_180] : memref<204800x64xf32, #tpu.memory_space<hbm>> -> memref<128x64xf32, #tpu.memory_space<hbm>>
    %dma_wait3A_182 = tpu.memref_slice %arg8[%dma_wait3A_175] : memref<10x!tpu.dma_semaphore, #tpu.memory_space<semaphore_mem>> -> memref<1x!tpu.dma_semaphore, #tpu.memory_space<semaphore_mem>>
    %dma_wait3A_183 = tpu.memref_squeeze %dma_wait3A_182 : memref<1x!tpu.dma_semaphore, #tpu.memory_space<semaphore_mem>> -> memref<!tpu.dma_semaphore, #tpu.memory_space<semaphore_mem>>
    %dma_wait3A_184 = arith.constant 0 : i32
    %dma_wait3A_185 = tpu.memref_slice %arg4[%add3A_173, %dma_wait3A_184] : memref<204800x64xf32, #tpu.memory_space<hbm>> -> memref<128x64xf32, #tpu.memory_space<hbm>>
    %dma_wait3A_186 = arith.constant 0 : i32
    %dma_wait3A_187 = arith.constant 0 : i32
    %dma_wait3A_188 = tpu.memref_slice %arg6[%dma_wait3A_174, %dma_wait3A_186, %dma_wait3A_187] : memref<10x128x64xf32, #tpu.memory_space<vmem>> -> memref<1x128x64xf32, #tpu.memory_space<vmem>>
    %dma_wait3A_189 = tpu.memref_squeeze %dma_wait3A_188 : memref<1x128x64xf32, #tpu.memory_space<vmem>> -> memref<128x64xf32, #tpu.memory_space<vmem>>
    tpu.wait_dma2 semaphore(%dma_wait3A_183 : memref<!tpu.dma_semaphore, #tpu.memory_space<semaphore_mem>>) src(%dma_wait3A_189 : memref<128x64xf32, #tpu.memory_space<vmem>>) dst(%dma_wait3A_185 : memref<128x64xf32, #tpu.memory_space<hbm>>)
    %add3A_190 = arith.constant 5504 : i32
    %add3A_191 = arith.addi %mul3A_2, %add3A_190 : i32
    %dma_wait3A_192 = arith.constant 3 : i32
    %dma_wait3A_193 = arith.constant 3 : i32
    %dma_wait3A_194 = arith.constant 0 : i32
    %dma_wait3A_195 = arith.constant 0 : i32
    %dma_wait3A_196 = tpu.memref_slice %arg6[%dma_wait3A_192, %dma_wait3A_194, %dma_wait3A_195] : memref<10x128x64xf32, #tpu.memory_space<vmem>> -> memref<1x128x64xf32, #tpu.memory_space<vmem>>
    %dma_wait3A_197 = tpu.memref_squeeze %dma_wait3A_196 : memref<1x128x64xf32, #tpu.memory_space<vmem>> -> memref<128x64xf32, #tpu.memory_space<vmem>>
    %dma_wait3A_198 = arith.constant 0 : i32
    %dma_wait3A_199 = tpu.memref_slice %arg4[%add3A_191, %dma_wait3A_198] : memref<204800x64xf32, #tpu.memory_space<hbm>> -> memref<128x64xf32, #tpu.memory_space<hbm>>
    %dma_wait3A_200 = tpu.memref_slice %arg8[%dma_wait3A_193] : memref<10x!tpu.dma_semaphore, #tpu.memory_space<semaphore_mem>> -> memref<1x!tpu.dma_semaphore, #tpu.memory_space<semaphore_mem>>
    %dma_wait3A_201 = tpu.memref_squeeze %dma_wait3A_200 : memref<1x!tpu.dma_semaphore, #tpu.memory_space<semaphore_mem>> -> memref<!tpu.dma_semaphore, #tpu.memory_space<semaphore_mem>>
    %dma_wait3A_202 = arith.constant 0 : i32
    %dma_wait3A_203 = tpu.memref_slice %arg4[%add3A_191, %dma_wait3A_202] : memref<204800x64xf32, #tpu.memory_space<hbm>> -> memref<128x64xf32, #tpu.memory_space<hbm>>
    %dma_wait3A_204 = arith.constant 0 : i32
    %dma_wait3A_205 = arith.constant 0 : i32
    %dma_wait3A_206 = tpu.memref_slice %arg6[%dma_wait3A_192, %dma_wait3A_204, %dma_wait3A_205] : memref<10x128x64xf32, #tpu.memory_space<vmem>> -> memref<1x128x64xf32, #tpu.memory_space<vmem>>
    %dma_wait3A_207 = tpu.memref_squeeze %dma_wait3A_206 : memref<1x128x64xf32, #tpu.memory_space<vmem>> -> memref<128x64xf32, #tpu.memory_space<vmem>>
    tpu.wait_dma2 semaphore(%dma_wait3A_201 : memref<!tpu.dma_semaphore, #tpu.memory_space<semaphore_mem>>) src(%dma_wait3A_207 : memref<128x64xf32, #tpu.memory_space<vmem>>) dst(%dma_wait3A_203 : memref<128x64xf32, #tpu.memory_space<hbm>>)
    %add3A_208 = arith.constant 5632 : i32
    %add3A_209 = arith.addi %mul3A_2, %add3A_208 : i32
    %dma_wait3A_210 = arith.constant 4 : i32
    %dma_wait3A_211 = arith.constant 4 : i32
    %dma_wait3A_212 = arith.constant 0 : i32
    %dma_wait3A_213 = arith.constant 0 : i32
    %dma_wait3A_214 = tpu.memref_slice %arg6[%dma_wait3A_210, %dma_wait3A_212, %dma_wait3A_213] : memref<10x128x64xf32, #tpu.memory_space<vmem>> -> memref<1x128x64xf32, #tpu.memory_space<vmem>>
    %dma_wait3A_215 = tpu.memref_squeeze %dma_wait3A_214 : memref<1x128x64xf32, #tpu.memory_space<vmem>> -> memref<128x64xf32, #tpu.memory_space<vmem>>
    %dma_wait3A_216 = arith.constant 0 : i32
    %dma_wait3A_217 = tpu.memref_slice %arg4[%add3A_209, %dma_wait3A_216] : memref<204800x64xf32, #tpu.memory_space<hbm>> -> memref<128x64xf32, #tpu.memory_space<hbm>>
    %dma_wait3A_218 = tpu.memref_slice %arg8[%dma_wait3A_211] : memref<10x!tpu.dma_semaphore, #tpu.memory_space<semaphore_mem>> -> memref<1x!tpu.dma_semaphore, #tpu.memory_space<semaphore_mem>>
    %dma_wait3A_219 = tpu.memref_squeeze %dma_wait3A_218 : memref<1x!tpu.dma_semaphore, #tpu.memory_space<semaphore_mem>> -> memref<!tpu.dma_semaphore, #tpu.memory_space<semaphore_mem>>
    %dma_wait3A_220 = arith.constant 0 : i32
    %dma_wait3A_221 = tpu.memref_slice %arg4[%add3A_209, %dma_wait3A_220] : memref<204800x64xf32, #tpu.memory_space<hbm>> -> memref<128x64xf32, #tpu.memory_space<hbm>>
    %dma_wait3A_222 = arith.constant 0 : i32
    %dma_wait3A_223 = arith.constant 0 : i32
    %dma_wait3A_224 = tpu.memref_slice %arg6[%dma_wait3A_210, %dma_wait3A_222, %dma_wait3A_223] : memref<10x128x64xf32, #tpu.memory_space<vmem>> -> memref<1x128x64xf32, #tpu.memory_space<vmem>>
    %dma_wait3A_225 = tpu.memref_squeeze %dma_wait3A_224 : memref<1x128x64xf32, #tpu.memory_space<vmem>> -> memref<128x64xf32, #tpu.memory_space<vmem>>
    tpu.wait_dma2 semaphore(%dma_wait3A_219 : memref<!tpu.dma_semaphore, #tpu.memory_space<semaphore_mem>>) src(%dma_wait3A_225 : memref<128x64xf32, #tpu.memory_space<vmem>>) dst(%dma_wait3A_221 : memref<128x64xf32, #tpu.memory_space<hbm>>)
    %add3A_226 = arith.constant 5760 : i32
    %add3A_227 = arith.addi %mul3A_2, %add3A_226 : i32
    %dma_wait3A_228 = arith.constant 5 : i32
    %dma_wait3A_229 = arith.constant 5 : i32
    %dma_wait3A_230 = arith.constant 0 : i32
    %dma_wait3A_231 = arith.constant 0 : i32
    %dma_wait3A_232 = tpu.memref_slice %arg6[%dma_wait3A_228, %dma_wait3A_230, %dma_wait3A_231] : memref<10x128x64xf32, #tpu.memory_space<vmem>> -> memref<1x128x64xf32, #tpu.memory_space<vmem>>
    %dma_wait3A_233 = tpu.memref_squeeze %dma_wait3A_232 : memref<1x128x64xf32, #tpu.memory_space<vmem>> -> memref<128x64xf32, #tpu.memory_space<vmem>>
    %dma_wait3A_234 = arith.constant 0 : i32
    %dma_wait3A_235 = tpu.memref_slice %arg4[%add3A_227, %dma_wait3A_234] : memref<204800x64xf32, #tpu.memory_space<hbm>> -> memref<128x64xf32, #tpu.memory_space<hbm>>
    %dma_wait3A_236 = tpu.memref_slice %arg8[%dma_wait3A_229] : memref<10x!tpu.dma_semaphore, #tpu.memory_space<semaphore_mem>> -> memref<1x!tpu.dma_semaphore, #tpu.memory_space<semaphore_mem>>
    %dma_wait3A_237 = tpu.memref_squeeze %dma_wait3A_236 : memref<1x!tpu.dma_semaphore, #tpu.memory_space<semaphore_mem>> -> memref<!tpu.dma_semaphore, #tpu.memory_space<semaphore_mem>>
    %dma_wait3A_238 = arith.constant 0 : i32
    %dma_wait3A_239 = tpu.memref_slice %arg4[%add3A_227, %dma_wait3A_238] : memref<204800x64xf32, #tpu.memory_space<hbm>> -> memref<128x64xf32, #tpu.memory_space<hbm>>
    %dma_wait3A_240 = arith.constant 0 : i32
    %dma_wait3A_241 = arith.constant 0 : i32
    %dma_wait3A_242 = tpu.memref_slice %arg6[%dma_wait3A_228, %dma_wait3A_240, %dma_wait3A_241] : memref<10x128x64xf32, #tpu.memory_space<vmem>> -> memref<1x128x64xf32, #tpu.memory_space<vmem>>
    %dma_wait3A_243 = tpu.memref_squeeze %dma_wait3A_242 : memref<1x128x64xf32, #tpu.memory_space<vmem>> -> memref<128x64xf32, #tpu.memory_space<vmem>>
    tpu.wait_dma2 semaphore(%dma_wait3A_237 : memref<!tpu.dma_semaphore, #tpu.memory_space<semaphore_mem>>) src(%dma_wait3A_243 : memref<128x64xf32, #tpu.memory_space<vmem>>) dst(%dma_wait3A_239 : memref<128x64xf32, #tpu.memory_space<hbm>>)
    %add3A_244 = arith.constant 5888 : i32
    %add3A_245 = arith.addi %mul3A_2, %add3A_244 : i32
    %dma_wait3A_246 = arith.constant 6 : i32
    %dma_wait3A_247 = arith.constant 6 : i32
    %dma_wait3A_248 = arith.constant 0 : i32
    %dma_wait3A_249 = arith.constant 0 : i32
    %dma_wait3A_250 = tpu.memref_slice %arg6[%dma_wait3A_246, %dma_wait3A_248, %dma_wait3A_249] : memref<10x128x64xf32, #tpu.memory_space<vmem>> -> memref<1x128x64xf32, #tpu.memory_space<vmem>>
    %dma_wait3A_251 = tpu.memref_squeeze %dma_wait3A_250 : memref<1x128x64xf32, #tpu.memory_space<vmem>> -> memref<128x64xf32, #tpu.memory_space<vmem>>
    %dma_wait3A_252 = arith.constant 0 : i32
    %dma_wait3A_253 = tpu.memref_slice %arg4[%add3A_245, %dma_wait3A_252] : memref<204800x64xf32, #tpu.memory_space<hbm>> -> memref<128x64xf32, #tpu.memory_space<hbm>>
    %dma_wait3A_254 = tpu.memref_slice %arg8[%dma_wait3A_247] : memref<10x!tpu.dma_semaphore, #tpu.memory_space<semaphore_mem>> -> memref<1x!tpu.dma_semaphore, #tpu.memory_space<semaphore_mem>>
    %dma_wait3A_255 = tpu.memref_squeeze %dma_wait3A_254 : memref<1x!tpu.dma_semaphore, #tpu.memory_space<semaphore_mem>> -> memref<!tpu.dma_semaphore, #tpu.memory_space<semaphore_mem>>
    %dma_wait3A_256 = arith.constant 0 : i32
    %dma_wait3A_257 = tpu.memref_slice %arg4[%add3A_245, %dma_wait3A_256] : memref<204800x64xf32, #tpu.memory_space<hbm>> -> memref<128x64xf32, #tpu.memory_space<hbm>>
    %dma_wait3A_258 = arith.constant 0 : i32
    %dma_wait3A_259 = arith.constant 0 : i32
    %dma_wait3A_260 = tpu.memref_slice %arg6[%dma_wait3A_246, %dma_wait3A_258, %dma_wait3A_259] : memref<10x128x64xf32, #tpu.memory_space<vmem>> -> memref<1x128x64xf32, #tpu.memory_space<vmem>>
    %dma_wait3A_261 = tpu.memref_squeeze %dma_wait3A_260 : memref<1x128x64xf32, #tpu.memory_space<vmem>> -> memref<128x64xf32, #tpu.memory_space<vmem>>
    tpu.wait_dma2 semaphore(%dma_wait3A_255 : memref<!tpu.dma_semaphore, #tpu.memory_space<semaphore_mem>>) src(%dma_wait3A_261 : memref<128x64xf32, #tpu.memory_space<vmem>>) dst(%dma_wait3A_257 : memref<128x64xf32, #tpu.memory_space<hbm>>)
    %add3A_262 = arith.constant 6016 : i32
    %add3A_263 = arith.addi %mul3A_2, %add3A_262 : i32
    %dma_wait3A_264 = arith.constant 7 : i32
    %dma_wait3A_265 = arith.constant 7 : i32
    %dma_wait3A_266 = arith.constant 0 : i32
    %dma_wait3A_267 = arith.constant 0 : i32
    %dma_wait3A_268 = tpu.memref_slice %arg6[%dma_wait3A_264, %dma_wait3A_266, %dma_wait3A_267] : memref<10x128x64xf32, #tpu.memory_space<vmem>> -> memref<1x128x64xf32, #tpu.memory_space<vmem>>
    %dma_wait3A_269 = tpu.memref_squeeze %dma_wait3A_268 : memref<1x128x64xf32, #tpu.memory_space<vmem>> -> memref<128x64xf32, #tpu.memory_space<vmem>>
    %dma_wait3A_270 = arith.constant 0 : i32
    %dma_wait3A_271 = tpu.memref_slice %arg4[%add3A_263, %dma_wait3A_270] : memref<204800x64xf32, #tpu.memory_space<hbm>> -> memref<128x64xf32, #tpu.memory_space<hbm>>
    %dma_wait3A_272 = tpu.memref_slice %arg8[%dma_wait3A_265] : memref<10x!tpu.dma_semaphore, #tpu.memory_space<semaphore_mem>> -> memref<1x!tpu.dma_semaphore, #tpu.memory_space<semaphore_mem>>
    %dma_wait3A_273 = tpu.memref_squeeze %dma_wait3A_272 : memref<1x!tpu.dma_semaphore, #tpu.memory_space<semaphore_mem>> -> memref<!tpu.dma_semaphore, #tpu.memory_space<semaphore_mem>>
    %dma_wait3A_274 = arith.constant 0 : i32
    %dma_wait3A_275 = tpu.memref_slice %arg4[%add3A_263, %dma_wait3A_274] : memref<204800x64xf32, #tpu.memory_space<hbm>> -> memref<128x64xf32, #tpu.memory_space<hbm>>
    %dma_wait3A_276 = arith.constant 0 : i32
    %dma_wait3A_277 = arith.constant 0 : i32
    %dma_wait3A_278 = tpu.memref_slice %arg6[%dma_wait3A_264, %dma_wait3A_276, %dma_wait3A_277] : memref<10x128x64xf32, #tpu.memory_space<vmem>> -> memref<1x128x64xf32, #tpu.memory_space<vmem>>
    %dma_wait3A_279 = tpu.memref_squeeze %dma_wait3A_278 : memref<1x128x64xf32, #tpu.memory_space<vmem>> -> memref<128x64xf32, #tpu.memory_space<vmem>>
    tpu.wait_dma2 semaphore(%dma_wait3A_273 : memref<!tpu.dma_semaphore, #tpu.memory_space<semaphore_mem>>) src(%dma_wait3A_279 : memref<128x64xf32, #tpu.memory_space<vmem>>) dst(%dma_wait3A_275 : memref<128x64xf32, #tpu.memory_space<hbm>>)
    %add3A_280 = arith.constant 6144 : i32
    %add3A_281 = arith.addi %mul3A_2, %add3A_280 : i32
    %dma_wait3A_282 = arith.constant 8 : i32
    %dma_wait3A_283 = arith.constant 8 : i32
    %dma_wait3A_284 = arith.constant 0 : i32
    %dma_wait3A_285 = arith.constant 0 : i32
    %dma_wait3A_286 = tpu.memref_slice %arg6[%dma_wait3A_282, %dma_wait3A_284, %dma_wait3A_285] : memref<10x128x64xf32, #tpu.memory_space<vmem>> -> memref<1x128x64xf32, #tpu.memory_space<vmem>>
    %dma_wait3A_287 = tpu.memref_squeeze %dma_wait3A_286 : memref<1x128x64xf32, #tpu.memory_space<vmem>> -> memref<128x64xf32, #tpu.memory_space<vmem>>
    %dma_wait3A_288 = arith.constant 0 : i32
    %dma_wait3A_289 = tpu.memref_slice %arg4[%add3A_281, %dma_wait3A_288] : memref<204800x64xf32, #tpu.memory_space<hbm>> -> memref<128x64xf32, #tpu.memory_space<hbm>>
    %dma_wait3A_290 = tpu.memref_slice %arg8[%dma_wait3A_283] : memref<10x!tpu.dma_semaphore, #tpu.memory_space<semaphore_mem>> -> memref<1x!tpu.dma_semaphore, #tpu.memory_space<semaphore_mem>>
    %dma_wait3A_291 = tpu.memref_squeeze %dma_wait3A_290 : memref<1x!tpu.dma_semaphore, #tpu.memory_space<semaphore_mem>> -> memref<!tpu.dma_semaphore, #tpu.memory_space<semaphore_mem>>
    %dma_wait3A_292 = arith.constant 0 : i32
    %dma_wait3A_293 = tpu.memref_slice %arg4[%add3A_281, %dma_wait3A_292] : memref<204800x64xf32, #tpu.memory_space<hbm>> -> memref<128x64xf32, #tpu.memory_space<hbm>>
    %dma_wait3A_294 = arith.constant 0 : i32
    %dma_wait3A_295 = arith.constant 0 : i32
    %dma_wait3A_296 = tpu.memref_slice %arg6[%dma_wait3A_282, %dma_wait3A_294, %dma_wait3A_295] : memref<10x128x64xf32, #tpu.memory_space<vmem>> -> memref<1x128x64xf32, #tpu.memory_space<vmem>>
    %dma_wait3A_297 = tpu.memref_squeeze %dma_wait3A_296 : memref<1x128x64xf32, #tpu.memory_space<vmem>> -> memref<128x64xf32, #tpu.memory_space<vmem>>
    tpu.wait_dma2 semaphore(%dma_wait3A_291 : memref<!tpu.dma_semaphore, #tpu.memory_space<semaphore_mem>>) src(%dma_wait3A_297 : memref<128x64xf32, #tpu.memory_space<vmem>>) dst(%dma_wait3A_293 : memref<128x64xf32, #tpu.memory_space<hbm>>)
    %add3A_298 = arith.constant 6272 : i32
    %add3A_299 = arith.addi %mul3A_2, %add3A_298 : i32
    %dma_wait3A_300 = arith.constant 9 : i32
    %dma_wait3A_301 = arith.constant 9 : i32
    %dma_wait3A_302 = arith.constant 0 : i32
    %dma_wait3A_303 = arith.constant 0 : i32
    %dma_wait3A_304 = tpu.memref_slice %arg6[%dma_wait3A_300, %dma_wait3A_302, %dma_wait3A_303] : memref<10x128x64xf32, #tpu.memory_space<vmem>> -> memref<1x128x64xf32, #tpu.memory_space<vmem>>
    %dma_wait3A_305 = tpu.memref_squeeze %dma_wait3A_304 : memref<1x128x64xf32, #tpu.memory_space<vmem>> -> memref<128x64xf32, #tpu.memory_space<vmem>>
    %dma_wait3A_306 = arith.constant 0 : i32
    %dma_wait3A_307 = tpu.memref_slice %arg4[%add3A_299, %dma_wait3A_306] : memref<204800x64xf32, #tpu.memory_space<hbm>> -> memref<128x64xf32, #tpu.memory_space<hbm>>
    %dma_wait3A_308 = tpu.memref_slice %arg8[%dma_wait3A_301] : memref<10x!tpu.dma_semaphore, #tpu.memory_space<semaphore_mem>> -> memref<1x!tpu.dma_semaphore, #tpu.memory_space<semaphore_mem>>
    %dma_wait3A_309 = tpu.memref_squeeze %dma_wait3A_308 : memref<1x!tpu.dma_semaphore, #tpu.memory_space<semaphore_mem>> -> memref<!tpu.dma_semaphore, #tpu.memory_space<semaphore_mem>>
    %dma_wait3A_310 = arith.constant 0 : i32
    %dma_wait3A_311 = tpu.memref_slice %arg4[%add3A_299, %dma_wait3A_310] : memref<204800x64xf32, #tpu.memory_space<hbm>> -> memref<128x64xf32, #tpu.memory_space<hbm>>
    %dma_wait3A_312 = arith.constant 0 : i32
    %dma_wait3A_313 = arith.constant 0 : i32
    %dma_wait3A_314 = tpu.memref_slice %arg6[%dma_wait3A_300, %dma_wait3A_312, %dma_wait3A_313] : memref<10x128x64xf32, #tpu.memory_space<vmem>> -> memref<1x128x64xf32, #tpu.memory_space<vmem>>
    %dma_wait3A_315 = tpu.memref_squeeze %dma_wait3A_314 : memref<1x128x64xf32, #tpu.memory_space<vmem>> -> memref<128x64xf32, #tpu.memory_space<vmem>>
    tpu.wait_dma2 semaphore(%dma_wait3A_309 : memref<!tpu.dma_semaphore, #tpu.memory_space<semaphore_mem>>) src(%dma_wait3A_315 : memref<128x64xf32, #tpu.memory_space<vmem>>) dst(%dma_wait3A_311 : memref<128x64xf32, #tpu.memory_space<hbm>>)
    return
  }
}

</mosaic_0001>

<sc_bundles>
// kernel: _sc_gather.3.cloned.1.call-start
scs
__scs_entry_jumppad:
0x0: {  	(pc) =	sbr.rel $0x88, $3  }
0x1: {  	(tag) =	ssettag $0x0;
	lr =	simm.s32 $0x1  }
0x2: {  	[smem:$0x3F9F] =	sst lr;
	_ =	strace $0xD0000000  }
0x3: {  	_ = 	snop  }
0x4: {  	_ = 	snop  }
0x5: {  	_ = 	snop  }
0x6: {  	_ = 	snop  }
0x7: {  	_ = 	snop  }
__scs_overlays_trampoline_lowered:
0x8: {  	[smem:$0x3FAE] =	sst s0  }
0x9: {  	[smem:$0x3FAF] =	sst s1  }
0xa: {  	[smem:$0x3FB0] =	sst s2  }
0xb: {  	[smem:$0x3FB1] =	sst s3  }
0xc: {  	[smem:$0x3FB2] =	sst s4  }
0xd: {  	[smem:$0x3FB3] =	sst s5  }
0xe: {  	[smem:$0x3FB4] =	sst s6  }
0xf: {  	[smem:$0x3FB5] =	sst s7  }
0x10: {  	[smem:$0x3FB6] =	sst s8  }
0x11: {  	[smem:$0x3FB7] =	sst s9;
	s0 =	simm.s32 @!p0 $0x0  }
0x12: {  	s1 =	sld [smem:$0x3F9D];
	s0 =	simm.s32 @p0 $0x1  }
0x13: {  	[smem:$0x3FB8] =	sst s0;
	s0 =	simm.s32 @!p1 $0x0  }
0x14: {  	s2 =	sld [smem:$0x3F9C];
	s0 =	simm.s32 @p1 $0x1  }
0x15: {  	[smem:$0x3FB9] =	sst s0;
	s0 =	simm.s32 @!p2 $0x0  }
0x16: {  	s3 =	sld [smem:$0x3FDB];
	s0 =	simm.s32 @p2 $0x1  }
0x17: {  	s4 =	simm.s32 $0x1BF5;
	[smem:$0x3FBB] =	sst s0  }
0x18: {  	s0 =	sld [smem:$0x3F9E];
	_ =	swait.ge [sflag:s4], $0x0  }
0x19: {  	s7 =	sld [smem:$0x3F9F]  }
0x1a: {  	s8 =	sadd.s32 $0xFFFFE003, lr  }
0x1b: {  	s9 =	sadd.s32 $0xFFFFFEF7, lr;
	s5 =	simm.s32 $0xFFFFFFFF;
	p2 =	slt.u32 s8, $0xFFFFF086  }
0x1c: {  	p1 =	slt.u32 s9, $0xF7A;
	s5 =	simm.s32 @!p2 $0x0  }
0x1d: {  	s5 =	simm.s32 @p1 $0x1;
	p0 =	seq.s32 s7, s2  }
0x1e: {  	s7 =	smul.u32 @!p0 $0xF7A, s2;
	p2 =	seq.s32 @!p0 s5, $0x0  }
0x1f: {  	s9 =	smul.u32 $0xF7A, s1;
	s8 =	simm.s32 @!p0 $0x1BF5;
	p2 =	por !p2, p0  }
0x20: {  	[sflag:s8] =	ssyncset.s32 @!p0 $0xFFFFF086;
	s6 =	sadd.s32 @!p0 s3, s7;
	s7 =	simm.s32 @!p0 $0x108  }
0x21: {  	s3 =	sadd.s32 s3, s9;
	s6 =	sadd.s32 @!p0 $0x88, s6;
	s7 =	simm.s32 @p2 $0x1082  }
0x22: {  	[simem:s7], [sflag:s8] =	dma.local @!p0 [hbm:s6], $0xF7A  }
0x23: {  	s9 =	sor.u32 $0xD0000000, s2;
	s6 =	simm.s32 $0x108;
	_ =	swait.ge @!p0 [sflag:s8], $0x0  }
0x24: {  	s3 =	sadd.s32 $0x88, s3;
	s6 =	simm.s32 @!p1 $0x1082;
	[sflag:s4] =	ssyncset.s32 $0xFFFFF086  }
0x25: {  	[simem:s6], [sflag:s4] =	dma.local [hbm:s3], $0xF7A  }
0x26: {  	[smem:$0x3F9F] =	sst s1;
	(tag) =	ssettag s2;
	_ =	strace s9  }
0x27: {  	s1 =	sld [smem:$0x3FAF]  }
0x28: {  	s2 =	sld [smem:$0x3FB0]  }
0x29: {  	s4 =	sld [smem:$0x3FB2]  }
0x2a: {  	p0 =	seq.s32 s5, $0x0;
	s5 =	sld [smem:$0x3FB3]  }
0x2b: {  	s6 =	sld [smem:$0x3FB4]  }
0x2c: {  	s7 =	sld [smem:$0x3FB5]  }
0x2d: {  	s3 =	simm.s32 $0x108;
	s8 =	sld [smem:$0x3FB6]  }
0x2e: {  	s3 =	simm.s32 @!p0 $0x1082;
	s9 =	sld [smem:$0x3FB7]  }
0x2f: {  	lr =	sadd.s32 s0, s3;
	s0 =	sld [smem:$0x3FAE]  }
0x30: {  	s3 =	sld [smem:$0x3FB1]  }
0x31: {  	[smem:$0x3FBA] =	sst s10  }
0x32: {  	s10 =	sld [smem:$0x3FB8];
	_ =	sdelay $0x3  }
0x33: {  	p0 =	seq.s32 s10, $0x1;
	s10 =	sld [smem:$0x3FBA];
	_ =	sdelay $0x3  }
0x34: {  	[smem:$0x3FBA] =	sst s10  }
0x35: {  	s10 =	sld [smem:$0x3FB9];
	_ =	sdelay $0x3  }
0x36: {  	p1 =	seq.s32 s10, $0x1;
	s10 =	sld [smem:$0x3FBA];
	_ =	sdelay $0x3  }
0x37: {  	[smem:$0x3FBA] =	sst s10  }
0x38: {  	s10 =	sld [smem:$0x3FBB]  }
0x39: {  	_ = 	snop;
	(pc) =	sbr.ind lr, $3  }
0x3a: {  	_ = 	snop  }
0x3b: {  	_ = 	snop  }
0x3c: {  	p2 =	seq.s32 s10, $0x1;
	s10 =	sld [smem:$0x3FBA]  }
0x3d: {  	_ =	shalt  }
0x3e: {  	_ =	shalt  }
0x3f: {  	_ =	shalt  }
0x40: {  	_ =	shalt  }
0x41: {  	_ =	shalt  }
0x42: {  	_ =	shalt  }
0x43: {  	_ =	shalt  }
0x44: {  	_ =	shalt  }
0x45: {  	_ =	shalt  }
0x46: {  	_ =	shalt  }
0x47: {  	_ =	shalt  }
0x48: {  	_ =	shalt  }
0x49: {  	_ =	shalt  }
0x4a: {  	_ =	shalt  }
0x4b: {  	_ =	shalt  }
0x4c: {  	_ =	shalt  }
0x4d: {  	_ =	shalt  }
0x4e: {  	_ =	shalt  }
0x4f: {  	_ =	shalt  }
0x50: {  	_ =	shalt  }
0x51: {  	_ =	shalt  }
0x52: {  	_ =	shalt  }
0x53: {  	_ =	shalt  }
0x54: {  	_ =	shalt  }
0x55: {  	_ =	shalt  }
0x56: {  	_ =	shalt  }
0x57: {  	_ =	shalt  }
0x58: {  	_ =	shalt  }
0x59: {  	_ =	shalt  }
0x5a: {  	_ =	shalt  }
0x5b: {  	_ =	shalt  }
0x5c: {  	_ =	shalt  }
0x5d: {  	_ =	shalt  }
0x5e: {  	_ =	shalt  }
0x5f: {  	_ =	shalt  }
0x60: {  	_ =	shalt  }
0x61: {  	_ =	shalt  }
0x62: {  	_ =	shalt  }
0x63: {  	_ =	shalt  }
0x64: {  	_ =	shalt  }
0x65: {  	_ =	shalt  }
0x66: {  	_ =	shalt  }
0x67: {  	_ =	shalt  }
0x68: {  	_ =	shalt  }
0x69: {  	_ =	shalt  }
0x6a: {  	_ =	shalt  }
0x6b: {  	_ =	shalt  }
0x6c: {  	_ =	shalt  }
0x6d: {  	_ =	shalt  }
0x6e: {  	_ =	shalt  }
0x6f: {  	_ =	shalt  }
0x70: {  	_ =	shalt  }
0x71: {  	_ =	shalt  }
0x72: {  	_ =	shalt  }
0x73: {  	_ =	shalt  }
0x74: {  	_ =	shalt  }
0x75: {  	_ =	shalt  }
0x76: {  	_ =	shalt  }
0x77: {  	_ =	shalt  }
0x78: {  	_ =	shalt  }
0x79: {  	_ =	shalt  }
0x7a: {  	_ =	shalt  }
0x7b: {  	_ =	shalt  }
0x7c: {  	_ =	shalt  }
0x7d: {  	_ =	shalt  }
0x7e: {  	_ =	shalt  }
0x7f: {  	_ =	shalt  }
0x80: {  	_ =	shalt  }
0x81: {  	_ =	shalt  }
0x82: {  	_ =	shalt  }
0x83: {  	_ =	shalt  }
0x84: {  	_ =	shalt  }
0x85: {  	_ =	shalt  }
0x86: {  	_ =	shalt  }
0x87: {  	_ =	shalt  }
.Lfunc_end0:
.L_simem_size_0:
called_computation.1_lowered:
.L_overlay_start_0:
0x88: {  	s2 =	sld [smem:$0x3FD9]  }
0x89: {  	s3 =	sld [smem:$0x3FFE];
	_ =	sdelay $0x1  }
0x8a: {  	s1 =	srdreg.scid  }
0x8b: {  	s0 =	sand.u32 $0x1, s1  }
0x8c: {  	s17 =	sshll.u32 s0, $0xA;
	s2 =	sadd.s32 s3, s2  }
0x8d: {  	s2 =	sadd.s32 s2, s17  }
0x8e: {  	[smem:$0x3FC6] =	sst s2  }
0x8f: {  	_ = 	snop  }
0x90: {  	s2 =	sld [smem:$0x3FC8]  }
0x91: {  	s18 =	sld [smem:$0x3FD0];
	(tm) =	ssettm $0x1  }
0x92: {  	s4 =	sld [smem:$0x3FFB];
	_ =	sdelay $0x3  }
0x93: {  	_ =	strace s4  }
0x94: {  	s4 =	sld [smem:$0x3FFC];
	_ =	sdelay $0x3  }
0x95: {  	_ =	strace s4  }
0x96: {  	s4 =	sld [smem:$0x3FFD];
	_ =	sdelay $0x3  }
0x97: {  	_ =	strace s4  }
0x98: {  	_ =	strace $0x8FFFFFFF  }
0x99: {  	s19 =	sld [smem:$0x3FDB];
	_ =	sdelay $0x1  }
0x9a: {  	s5 =	simm.s32 $_scs_section_size  }
0x9b: {  	s6 =	simm.s32 $_size__tile_overlayer_lowered;
	s7 =	simm.s32 $_tile_overlayer_lowered  }
0x9c: {  	s22 =	simm.s32 $0x1BFF;
	s21 =	sshll.u32 s7, $0x1;
	s4 =	sadd.s32 s5, s19  }
0x9d: {  	s8 =	simm.s32 $0x0;
	s20 =	sshll.u32 s6, $0x1;
	s6 =	sadd.s32 s21, s4  }
0x9e: {  	[timem:s8], [sflag:s22] =	dma.local [hbm:s6], s20  }
0x9f: {  	_ =	swait.ge [sflag:s22], s20  }
0xa0: {  	s5 =	ssub.s32 $0x0, s20;
	[sflag:s22] =	ssyncset.done $0x0  }
0xa1: {  	[sflag:s22] =	ssyncadd.s32 s5;
	_ =	sdelay $0x1  }
0xa2: {  	s23 =	simm.s32 $0x1B8B  }
0xa3: {  	_ =	swait.ge [sflag:s23], $0x1  }
0xa4: {  	[sflag:s23] =	ssyncset.done $0x0  }
0xa5: {  	s25 =	simm.s32 $0x1B8E;
	s24 =	sld [smem:$0x3FFE];
	[sflag:s23] =	ssyncadd.s32 $0xFFFFFFFF  }
0xa6: {  	s26 =	simm.s32 $execute0_lowered;
	[smem:$0x3FD2] =	sst s25  }
0xa7: {  	s6 =	sshll.u32 s26, $0x1;
	_ =	strace $0x80000046;
	[dreg:$0x1] =	wrdreg $0xFFFFFFFF  }
0xa8: {  	s28 =	simm.s32 $_size_execute0_lowered;
	s4 =	sadd.s32 s4, s6;
	[dreg:$0x0] =	wrdreg $0x0  }
0xa9: {  	s6 =	sshll.u32 s28, $0x1;
	[dreg:$0x2] =	wrdreg s4  }
0xaa: {  	[dreg:$0x3] =	wrdreg s6  }
0xab: {  	[dreg:$0x4] =	wrdreg $0xC0  }
0xac: {  	_ =	task [dreg:s8], $0x5FFFF  }
0xad: {  	[dreg:$0x1] =	wrdreg $0xFFFFFFFF  }
0xae: {  	[dreg:$0x0] =	wrdreg $0x60  }
0xaf: {  	[dreg:$0x2] =	wrdreg s24  }
0xb0: {  	[dreg:$0x3] =	wrdreg s2  }
0xb1: {  	[dreg:$0x4] =	wrdreg s18  }
0xb2: {  	[dreg:$0x5] =	wrdreg $0x9  }
0xb3: {  	_ =	task.clear_ibuf [dreg:s8], $0x6FFFF;
	_ =	strace $0x90000046  }
0xb4: {  	s29 =	simm.s32 $0x9;
	_ =	strace $0x80000048  }
0xb5: {  	_ =	swait.ge [sflag:s29], $0x1  }
0xb6: {  	[sflag:s29] =	ssyncadd.s32 $0xFFFFFFFF  }
0xb7: {  	_ =	strace $0x90000048  }
0xb8: {  	_ =	sfence  }
0xb9: {  	s30 =	sld [smem:$0x0];
	_ =	sdelay $0x2  }
0xba: {  	s31 =	sshll.u32 s1, $0xD;
	s1 =	sshrl.u32 s1, $0x2  }
0xbb: {  	s3 =	sand.u32 $0x4000, s31;
	s1 =	sadd.s32 s1, s30  }
0xbc: {  	s0 =	sor.u32 s3, s0;
	s1 =	sshll.u32 s1, $0x11  }
0xbd: {  	s0 =	sor.u32 s1, s0  }
0xbe: {  	s0 =	sadd.s32 $0x8F2B, s0  }
0xbf: {  	[sflag:s0] =	ssyncadd.remote.s32 $0x1  }
0xc0: {  	_ =	sfence.sel $0xFFFF  }
0xc1: {  	[dreg:$0x0] =	wrdreg $0xFFFFFFFF;
	(pc) =	sbr.abs _section_cstart, $3  }
0xc2: {  	[dreg:$0x1] =	wrdreg $0xFFFFFFFF  }
0xc3: {  	_ =	task.clear_ibuf [dreg:s8], $0x2FFFF;
	_ =	strace $0x9FFFFFFF  }
0xc4: {  	(tm) =	ssettm $0x7FFFFFFF  }
0xc5: {  	_ =	shalt  }
tec
execute0_lowered:
.L_overlay_start_1:
0x0: {  	(tag) =	ssettag $0x1  }
0x1: {  	s0 =	srdreg.scid;
	s1 =	rddreg [dreg:$0x0]  }
0x2: {  	s9 =	stileid.u32;
	s5 =	rddreg [dreg:$0x1];
	s3 =	simm.s32 $0x0  }
0x3: {  	s29 =	simm.s32 $0x1900;
	s31 =	simm.s32 $0x3900;
	s28 =	simm.s32 $0xF900  }
0x4: {  	s30 =	simm.s32 $0x11900;
	s10 =	simm.s32 $0xC;
	s11 =	simm.s32 $0xD  }
0x5: {  	s12 =	simm.s32 $0xE;
	s13 =	simm.s32 $0xF;
	s6 =	smul.u32 $0x3200, s9  }
0x6: {  	s14 =	simm.s32 $0x10;
	s0 =	sand.u32 $0x1, s0;
	s22 =	smul.u32 $0x19000, s9  }
0x7: {  	s2 =	sshll.u32 s9, $0x1;
	[smem:$0x7FF] =	sst s3;
	s7 =	smul.u32 $0x1900, s0  }
0x8: {  	s2 =	sor.u32 s0, s2;
	s16 =	ssub.s32 $0x2, s0;
	s0 =	smul.u32 $0xC800, s0  }
0x9: {  	s4 =	sadd.s32 $0x800, s1;
	_ =	strace $0x80000047;
	s2 =	smul.u32 $0x1900, s2  }
0xa: {  	s8 =	sshrl.u32 s16, $0x1;
	s6 =	sadd.s32 s7, s6;
	s0 =	sadd.s32 s0, s22  }
0xb: {  	s1 =	ssub.s32 s16, s8;
	s22 =	simm.s32 $0x0;
	[dreg:$0xf] =	wrdreg s0  }
0xc: {  	s2 =	sshrl.u32 s2, $0x3;
	s1 =	smax.u32 s1, $0x1;
	[dreg:$0x10] =	wrdreg s22  }
0xd: {  	s17 =	sshll.u32 s6, $0x3;
	s2 =	sadd.s32 s5, s2;
	[dreg:$0x5] =	wrdreg s1  }
0xe: {  	s15 =	simm.s32 $0x11;
	s18 =	sadd.s32 $0x2400, s17;
	[dreg:$0x4] =	wrdreg s2  }
0xf: {  	s9 =	simm.s32 $0xB;
	s19 =	sadd.s32 $0x2000, s17;
	[dreg:$0x6] =	wrdreg s18  }
0x10: {  	s7 =	simm.s32 $0x9;
	s20 =	sadd.s32 $0x1C00, s17;
	[dreg:$0x7] =	wrdreg s19  }
0x11: {  	s8 =	simm.s32 $0xA;
	s21 =	sadd.s32 $0x1800, s17;
	[dreg:$0x8] =	wrdreg s20  }
0x12: {  	s16 =	simm.s32 $0x12;
	s23 =	sadd.s32 $0x1400, s17;
	[dreg:$0x9] =	wrdreg s21  }
0x13: {  	s0 =	simm.s32 $0x5900;
	s24 =	sadd.s32 $0x1000, s17;
	[dreg:$0xa] =	wrdreg s23  }
0x14: {  	s6 =	simm.s32 $0x7;
	s25 =	sadd.s32 $0xC00, s17;
	[dreg:$0xb] =	wrdreg s24  }
0x15: {  	s26 =	sadd.s32 $0x800, s17;
	s1 =	simm.s32 $0x3;
	[dreg:$0xc] =	wrdreg s25  }
.Ltmp0:
0x16: {  	s5 =	simm.s32 $0x6;
	[dreg:$0xd] =	wrdreg s26;
	(pc) =	sbr.rel .LBB2_1-.Ltmp0, $4  }
0x17: {  	s2 =	sor.u32 $0x400, s17;
	s18 =	simm.s32 $0x80;
	s21 =	simm.s32 $0x7900  }
0x18: {  	s24 =	simm.s32 $0x9900;
	s25 =	simm.s32 $0xB900;
	s26 =	simm.s32 $0xD900  }
0x19: {  	s23 =	simm.s32 $0x5;
	s17 =	simm.s32 $0x8;
	s19 =	simm.s32 $0x13  }
0x1a: {  	s20 =	simm.s32 $0x14;
	[dreg:$0xe] =	wrdreg s2;
	s2 =	simm.s32 $0x4  }
.LBB2_4:
0x1b: {  	_ =	swait.ge [sflag:s10], $0x2000  }
0x1c: {  	[sflag:s10] =	ssyncset.done $0x0  }
0x1d: {  	[sflag:s10] =	ssyncadd.s32 $0xFFFFE000  }
0x1e: {  	_ =	swait.ge [sflag:s11], $0x2000  }
0x1f: {  	[sflag:s11] =	ssyncset.done $0x0  }
0x20: {  	[sflag:s11] =	ssyncadd.s32 $0xFFFFE000  }
0x21: {  	_ =	swait.ge [sflag:s12], $0x2000  }
0x22: {  	[sflag:s12] =	ssyncset.done $0x0  }
0x23: {  	[sflag:s12] =	ssyncadd.s32 $0xFFFFE000  }
0x24: {  	_ =	swait.ge [sflag:s13], $0x2000  }
0x25: {  	[sflag:s13] =	ssyncset.done $0x0  }
0x26: {  	[sflag:s13] =	ssyncadd.s32 $0xFFFFE000  }
0x27: {  	_ =	swait.ge [sflag:s14], $0x2000  }
0x28: {  	[sflag:s14] =	ssyncset.done $0x0  }
0x29: {  	[sflag:s14] =	ssyncadd.s32 $0xFFFFE000  }
0x2a: {  	_ =	swait.ge [sflag:s15], $0x2000  }
0x2b: {  	[sflag:s15] =	ssyncset.done $0x0  }
0x2c: {  	[sflag:s15] =	ssyncadd.s32 $0xFFFFE000  }
0x2d: {  	_ =	swait.ge [sflag:s16], $0x2000  }
0x2e: {  	[sflag:s16] =	ssyncset.done $0x0  }
0x2f: {  	[sflag:s16] =	ssyncadd.s32 $0xFFFFE000  }
0x30: {  	_ =	swait.ge [sflag:s19], $0x2000  }
0x31: {  	[sflag:s19] =	ssyncset.done $0x0  }
0x32: {  	[sflag:s19] =	ssyncadd.s32 $0xFFFFE000  }
0x33: {  	_ =	swait.ge [sflag:s20], $0x2000  }
0x34: {  	s0 =	rddreg [dreg:$0x10]  }
0x35: {  	s22 =	rddreg [dreg:$0x5];
	s0 =	sadd.s32 $0x1, s0  }
0x36: {  	p0 =	sne.s32 s0, s22  }
.Ltmp1:
0x37: {  	_ = 	snop;
	(pc) =	sbr.rel @!p0 .LBB2_5-.Ltmp1, $4  }
0x38: {  	s21 =	simm.s32 $0x7900  }
0x39: {  	s24 =	simm.s32 $0x9900;
	s25 =	simm.s32 $0xB900;
	s26 =	simm.s32 $0xD900  }
0x3a: {  	s28 =	simm.s32 $0xF900;
	s30 =	simm.s32 $0x11900;
	[sflag:s20] =	ssyncset.done $0x0  }
0x3b: {  	[sflag:s20] =	ssyncadd.s32 $0xFFFFE000;
	[dreg:$0x10] =	wrdreg s0;
	s0 =	simm.s32 $0x5900  }
.LBB2_1:
0x3c: {  	s22 =	rddreg [dreg:$0x4]  }
0x3d: {  	[tilespmem:s3], [sflag:$0x15] =	stream.linear.gather [hbm4b:s22+s3], $0x1900, $0x38;
	[tilespmem:$0x15900] =	vst v63  }
0x3e: {  	s22 =	simm.s32 $0x15  }
0x3f: {  	_ =	swait.ge [sflag:s22], $0x1900  }
0x40: {  	[sflag:s22] =	ssyncset.done $0x0  }
0x41: {  	[sflag:s22] =	ssyncadd.s32 $0xFFFFE700  }
0x42: {  	[tilespmem:s29], [sflag:$0x1] =	stream.indirect.gather [hbm4b:s4+s18], $0x40, s3, s18, $0xb8;
	[tilespmem:$0x15900] =	vst v63  }
0x43: {  	_ = 	snop  }
0x44: {  	[tilespmem:s31], [sflag:$0x2] =	stream.indirect.gather [hbm4b:s4+s18], $0x40, s18, s18, $0xb8;
	[tilespmem:$0x15900] =	vst v63  }
0x45: {  	s22 =	simm.s32 $0x100  }
0x46: {  	[tilespmem:s0], [sflag:$0x3] =	stream.indirect.gather [hbm4b:s4+s18], $0x40, s22, s18, $0xb8;
	[tilespmem:$0x15900] =	vst v63  }
0x47: {  	s22 =	simm.s32 $0x180  }
0x48: {  	[tilespmem:s21], [sflag:$0x4] =	stream.indirect.gather [hbm4b:s4+s18], $0x40, s22, s18, $0xb8;
	[tilespmem:$0x15900] =	vst v63  }
0x49: {  	s22 =	simm.s32 $0x200  }
0x4a: {  	[tilespmem:s24], [sflag:$0x5] =	stream.indirect.gather [hbm4b:s4+s18], $0x40, s22, s18, $0xb8;
	[tilespmem:$0x15900] =	vst v63  }
0x4b: {  	s24 =	simm.s32 $0x280  }
0x4c: {  	[tilespmem:s25], [sflag:$0x6] =	stream.indirect.gather [hbm4b:s4+s18], $0x40, s24, s18, $0xb8;
	[tilespmem:$0x15900] =	vst v63  }
0x4d: {  	s21 =	simm.s32 $0x300  }
0x4e: {  	[tilespmem:s26], [sflag:$0x7] =	stream.indirect.gather [hbm4b:s4+s18], $0x40, s21, s18, $0xb8;
	[tilespmem:$0x15900] =	vst v63  }
0x4f: {  	s22 =	simm.s32 $0x380  }
0x50: {  	[tilespmem:s28], [sflag:$0x8] =	stream.indirect.gather [hbm4b:s4+s18], $0x40, s22, s18, $0xb8;
	[tilespmem:$0x15900] =	vst v63  }
0x51: {  	s0 =	simm.s32 $0xD900;
	s24 =	simm.s32 $0x400;
	s25 =	simm.s32 $0x480  }
0x52: {  	[tilespmem:s30], [sflag:$0x9] =	stream.indirect.gather [hbm4b:s4+s18], $0x40, s24, s18, $0xb8;
	[tilespmem:$0x15900] =	vst v63  }
0x53: {  	s26 =	simm.s32 $0x13900;
	s22 =	rddreg [dreg:$0x2];
	s28 =	simm.s32 $0xB900  }
0x54: {  	[tilespmem:s26], [sflag:$0xA] =	stream.indirect.gather [hbm4b:s4+s18], $0x40, s25, s18, $0xb8;
	[tilespmem:$0x15900] =	vst v63  }
0x55: {  	s30 =	simm.s32 $0xF900;
	s24 =	simm.s32 $0x0;
	s25 =	simm.s32 $0x9900  }
.LBB2_2:
0x56: {  	s26 =	simm.s32 $0x1  }
0x57: {  	_ =	swait.ge [sflag:s26], $0x2000  }
0x58: {  	[sflag:s26] =	ssyncset.done $0x0;
	s21 =	rddreg [dreg:$0xf]  }
0x59: {  	[sflag:s26] =	ssyncadd.s32 $0xFFFFE000;
	s26 =	sadd.s32 s22, s21;
	s21 =	simm.s32 $0x2  }
0x5a: {  	[hbm4b:s26+s3] =	stream.linear.scatter [tilespmem:s29], [sflag:$0xB], $0x2000, $0x38;
	[tilespmem:$0x15900] =	vst v63  }
0x5b: {  	_ =	swait.ge [sflag:s21], $0x2000  }
0x5c: {  	[sflag:s21] =	ssyncset.done $0x0  }
0x5d: {  	[sflag:s21] =	ssyncadd.s32 $0xFFFFE000;
	s21 =	rddreg [dreg:$0xe]  }
0x5e: {  	s26 =	sadd.s32 s22, s21  }
0x5f: {  	[hbm4b:s26+s3] =	stream.linear.scatter [tilespmem:s31], [sflag:$0xC], $0x2000, $0x38;
	[tilespmem:$0x15900] =	vst v63  }
0x60: {  	_ =	swait.ge [sflag:s1], $0x2000  }
0x61: {  	[sflag:s1] =	ssyncset.done $0x0;
	s21 =	rddreg [dreg:$0xd]  }
0x62: {  	[sflag:s1] =	ssyncadd.s32 $0xFFFFE000;
	s26 =	sadd.s32 s22, s21;
	s21 =	simm.s32 $0x5900  }
0x63: {  	[hbm4b:s26+s3] =	stream.linear.scatter [tilespmem:s21], [sflag:$0xD], $0x2000, $0x38;
	[tilespmem:$0x15900] =	vst v63  }
0x64: {  	_ =	swait.ge [sflag:s2], $0x2000  }
0x65: {  	[sflag:s2] =	ssyncset.done $0x0;
	s21 =	rddreg [dreg:$0xc]  }
0x66: {  	[sflag:s2] =	ssyncadd.s32 $0xFFFFE000;
	s26 =	sadd.s32 s22, s21;
	s21 =	simm.s32 $0x7900  }
0x67: {  	[hbm4b:s26+s3] =	stream.linear.scatter [tilespmem:s21], [sflag:$0xE], $0x2000, $0x38;
	[tilespmem:$0x15900] =	vst v63  }
0x68: {  	_ =	swait.ge [sflag:s23], $0x2000  }
0x69: {  	[sflag:s23] =	ssyncset.done $0x0;
	s21 =	rddreg [dreg:$0xb]  }
0x6a: {  	[sflag:s23] =	ssyncadd.s32 $0xFFFFE000;
	s26 =	sadd.s32 s22, s21  }
0x6b: {  	[hbm4b:s26+s3] =	stream.linear.scatter [tilespmem:s25], [sflag:$0xF], $0x2000, $0x38;
	[tilespmem:$0x15900] =	vst v63  }
0x6c: {  	_ =	swait.ge [sflag:s5], $0x2000  }
0x6d: {  	[sflag:s5] =	ssyncset.done $0x0;
	s21 =	rddreg [dreg:$0xa]  }
0x6e: {  	[sflag:s5] =	ssyncadd.s32 $0xFFFFE000;
	s26 =	sadd.s32 s22, s21  }
0x6f: {  	[hbm4b:s26+s3] =	stream.linear.scatter [tilespmem:s28], [sflag:$0x10], $0x2000, $0x38;
	[tilespmem:$0x15900] =	vst v63  }
0x70: {  	_ =	swait.ge [sflag:s6], $0x2000  }
0x71: {  	[sflag:s6] =	ssyncset.done $0x0;
	s21 =	rddreg [dreg:$0x9]  }
0x72: {  	[sflag:s6] =	ssyncadd.s32 $0xFFFFE000;
	s26 =	sadd.s32 s22, s21  }
0x73: {  	[hbm4b:s26+s3] =	stream.linear.scatter [tilespmem:s0], [sflag:$0x11], $0x2000, $0x38;
	[tilespmem:$0x15900] =	vst v63  }
0x74: {  	_ =	swait.ge [sflag:s17], $0x2000  }
0x75: {  	[sflag:s17] =	ssyncset.done $0x0;
	s21 =	rddreg [dreg:$0x8]  }
0x76: {  	[sflag:s17] =	ssyncadd.s32 $0xFFFFE000;
	s26 =	sadd.s32 s22, s21  }
0x77: {  	[hbm4b:s26+s3] =	stream.linear.scatter [tilespmem:s30], [sflag:$0x12], $0x2000, $0x38;
	[tilespmem:$0x15900] =	vst v63  }
0x78: {  	_ =	swait.ge [sflag:s7], $0x2000  }
0x79: {  	[sflag:s7] =	ssyncset.done $0x0;
	s21 =	rddreg [dreg:$0x7]  }
0x7a: {  	[sflag:s7] =	ssyncadd.s32 $0xFFFFE000;
	s26 =	sadd.s32 s22, s21;
	s21 =	simm.s32 $0x11900  }
0x7b: {  	[hbm4b:s26+s3] =	stream.linear.scatter [tilespmem:s21], [sflag:$0x13], $0x2000, $0x38;
	[tilespmem:$0x15900] =	vst v63  }
0x7c: {  	_ =	swait.ge [sflag:s8], $0x2000  }
0x7d: {  	[sflag:s8] =	ssyncset.done $0x0  }
0x7e: {  	p0 =	seq.s32 s24, $0x5000;
	s21 =	rddreg [dreg:$0x6];
	[sflag:s8] =	ssyncadd.s32 $0xFFFFE000  }
.Ltmp2:
0x7f: {  	s26 =	sadd.s32 s22, s21;
	s21 =	simm.s32 $0x13900;
	(pc) =	sbr.rel @p0 .LBB2_4-.Ltmp2, $4  }
0x80: {  	[hbm4b:s26+s3] =	stream.linear.scatter [tilespmem:s21], [sflag:$0x14], $0x2000, $0x38;
	[tilespmem:$0x15900] =	vst v63  }
0x81: {  	_ =	swait.ge [sflag:s9], $0x2000  }
0x82: {  	[sflag:s9] =	ssyncset.done $0x0  }
0x83: {  	[sflag:s9] =	ssyncadd.s32 $0xFFFFE000  }
0x84: {  	s26 =	sshra.s32 s24, $0x2  }
0x85: {  	s31 =	simm.s32 $0x1900;
	s29 =	sadd.s32 $0x500, s26  }
0x86: {  	[tilespmem:s31], [sflag:$0x1] =	stream.indirect.gather [hbm4b:s4+s18], $0x40, s29, s18, $0xb8;
	[tilespmem:$0x15900] =	vst v63  }
0x87: {  	_ =	swait.ge [sflag:s10], $0x2000  }
0x88: {  	[sflag:s10] =	ssyncset.done $0x0  }
0x89: {  	s31 =	simm.s32 $0x3900;
	s29 =	sadd.s32 $0x580, s26;
	[sflag:s10] =	ssyncadd.s32 $0xFFFFE000  }
0x8a: {  	[tilespmem:s31], [sflag:$0x2] =	stream.indirect.gather [hbm4b:s4+s18], $0x40, s29, s18, $0xb8;
	[tilespmem:$0x15900] =	vst v63  }
0x8b: {  	_ =	swait.ge [sflag:s11], $0x2000  }
0x8c: {  	[sflag:s11] =	ssyncset.done $0x0  }
0x8d: {  	s21 =	simm.s32 $0x5900;
	s29 =	sadd.s32 $0x600, s26;
	[sflag:s11] =	ssyncadd.s32 $0xFFFFE000  }
0x8e: {  	[tilespmem:s21], [sflag:$0x3] =	stream.indirect.gather [hbm4b:s4+s18], $0x40, s29, s18, $0xb8;
	[tilespmem:$0x15900] =	vst v63  }
0x8f: {  	_ =	swait.ge [sflag:s12], $0x2000  }
0x90: {  	[sflag:s12] =	ssyncset.done $0x0  }
0x91: {  	s29 =	sadd.s32 $0x680, s26;
	s21 =	simm.s32 $0x7900;
	[sflag:s12] =	ssyncadd.s32 $0xFFFFE000  }
0x92: {  	[tilespmem:s21], [sflag:$0x4] =	stream.indirect.gather [hbm4b:s4+s18], $0x40, s29, s18, $0xb8;
	[tilespmem:$0x15900] =	vst v63  }
0x93: {  	_ =	swait.ge [sflag:s13], $0x2000  }
0x94: {  	[sflag:s13] =	ssyncset.done $0x0  }
0x95: {  	s29 =	sadd.s32 $0x700, s26;
	[sflag:s13] =	ssyncadd.s32 $0xFFFFE000  }
0x96: {  	[tilespmem:s25], [sflag:$0x5] =	stream.indirect.gather [hbm4b:s4+s18], $0x40, s29, s18, $0xb8;
	[tilespmem:$0x15900] =	vst v63  }
0x97: {  	_ =	swait.ge [sflag:s14], $0x2000  }
0x98: {  	[sflag:s14] =	ssyncset.done $0x0  }
0x99: {  	s29 =	sadd.s32 $0x780, s26;
	[sflag:s14] =	ssyncadd.s32 $0xFFFFE000  }
0x9a: {  	[tilespmem:s28], [sflag:$0x6] =	stream.indirect.gather [hbm4b:s4+s18], $0x40, s29, s18, $0xb8;
	[tilespmem:$0x15900] =	vst v63  }
0x9b: {  	_ =	swait.ge [sflag:s15], $0x2000  }
0x9c: {  	[sflag:s15] =	ssyncset.done $0x0  }
0x9d: {  	s29 =	sadd.s32 $0x800, s26;
	[sflag:s15] =	ssyncadd.s32 $0xFFFFE000  }
0x9e: {  	[tilespmem:s0], [sflag:$0x7] =	stream.indirect.gather [hbm4b:s4+s18], $0x40, s29, s18, $0xb8;
	[tilespmem:$0x15900] =	vst v63  }
0x9f: {  	_ =	swait.ge [sflag:s16], $0x2000  }
0xa0: {  	[sflag:s16] =	ssyncset.done $0x0  }
0xa1: {  	s29 =	sadd.s32 $0x880, s26;
	[sflag:s16] =	ssyncadd.s32 $0xFFFFE000  }
0xa2: {  	[tilespmem:s30], [sflag:$0x8] =	stream.indirect.gather [hbm4b:s4+s18], $0x40, s29, s18, $0xb8;
	[tilespmem:$0x15900] =	vst v63  }
0xa3: {  	_ =	swait.ge [sflag:s19], $0x2000  }
0xa4: {  	[sflag:s19] =	ssyncset.done $0x0  }
0xa5: {  	s21 =	simm.s32 $0x11900;
	s29 =	sadd.s32 $0x900, s26;
	[sflag:s19] =	ssyncadd.s32 $0xFFFFE000  }
0xa6: {  	[tilespmem:s21], [sflag:$0x9] =	stream.indirect.gather [hbm4b:s4+s18], $0x40, s29, s18, $0xb8;
	[tilespmem:$0x15900] =	vst v63  }
.Ltmp3:
0xa7: {  	_ = 	snop;
	(pc) =	sbr.rel .LBB2_2-.Ltmp3, $4  }
0xa8: {  	s24 =	sadd.s32 $0x1400, s24;
	_ =	swait.ge [sflag:s20], $0x2000  }
0xa9: {  	s22 =	sadd.s32 $0x2800, s22;
	s26 =	sadd.s32 $0x980, s26;
	[sflag:s20] =	ssyncset.done $0x0  }
0xaa: {  	s29 =	simm.s32 $0x1900;
	s21 =	simm.s32 $0x13900;
	[sflag:s20] =	ssyncadd.s32 $0xFFFFE000  }
0xab: {  	[tilespmem:s21], [sflag:$0xA] =	stream.indirect.gather [hbm4b:s4+s18], $0x40, s26, s18, $0xb8;
	[tilespmem:$0x15900] =	vst v63  }
.LBB2_5:
0xac: {  	_ =	sfence.sel $0x180000  }
0xad: {  	[bflag:$0x0] =	sbarrier.arrive $0xFFFF  }
0xae: {  	_ =	strace $0x90000047  }
0xaf: {  	s0 =	stileid.u32;
	[bflag:$0x2] =	sbarrier.arrive $0xFFFF  }
0xb0: {  	p0 =	sne.s32 s0, $0x0;
	s0 =	rddreg [dreg:$0x3]  }
0xb1: {  	s0 =	sadd.s32 @!p0 $0x100000, s0  }
0xb2: {  	[sflag:s0] =	ssyncadd.tile.s32 @!p0 $0x1;
	_ =	shalt  }
.Lfunc_end2:
_tile_overlayer_lowered:
.L_overlay_start_2:
0xb3: {  	(tag) =	ssettag $0x2  }
0xb4: {  	s0 =	rddreg [dreg:$0x0];
	s2 =	stileid.u32  }
0xb5: {  	s1 =	rddreg [dreg:$0x1];
	p0 =	sne.s32 s2, $0x0  }
0xb6: {  	s3 =	rddreg [dreg:$0x2];
	[bflag:$0x3] =	sbarrier.arrive $0xFFFF;
	s2 =	simm.s32 @!p0 $0x1C15  }
0xb7: {  	[timem:s3], [sflag:s2] =	dma.local @!p0 [hbm:s0], s1  }
0xb8: {  	s0 =	simm.s32 @!p0 $0x15  }
0xb9: {  	_ =	swait.ge @!p0 [sflag:s0], s1  }
0xba: {  	s1 =	ssub.s32 @!p0 $0x0, s1;
	[sflag:s0] =	ssyncset.done @!p0 $0x0  }
0xbb: {  	[sflag:s0] =	ssyncadd.s32 @!p0 s1  }
0xbc: {  	[bflag:$0x3] =	sbarrier.arrive $0xFFFF  }
0xbd: {  	_ =	shalt  }

// kernel: sparse-core-data-format-call.cloned.1.call-start
scs
called_computation_lowered:
.L_overlay_start_0:
0x0: {  	s2 =	sld [smem:$0x3FD9]  }
0x1: {  	s3 =	sld [smem:$0x3FFE];
	_ =	sdelay $0x1  }
0x2: {  	s1 =	srdreg.scid  }
0x3: {  	s0 =	sand.u32 $0x1, s1  }
0x4: {  	s18 =	sshll.u32 s0, $0xA;
	s2 =	sadd.s32 s3, s2  }
0x5: {  	s2 =	sadd.s32 s2, s18  }
0x6: {  	[smem:$0x3FC6] =	sst s2  }
0x7: {  	_ = 	snop  }
0x8: {  	s2 =	sld [smem:$0x3FD0];
	(tm) =	ssettm $0x1  }
0x9: {  	s19 =	sld [smem:$0x3FFB];
	_ =	sdelay $0x3  }
0xa: {  	_ =	strace s19  }
0xb: {  	s3 =	sld [smem:$0x3FFC];
	_ =	sdelay $0x3  }
0xc: {  	_ =	strace s3  }
0xd: {  	s3 =	sld [smem:$0x3FFD];
	_ =	sdelay $0x3  }
0xe: {  	_ =	strace s3  }
0xf: {  	_ =	strace $0x8FFFFFFF  }
0x10: {  	s20 =	sld [smem:$0x3FDB];
	_ =	sdelay $0x1  }
0x11: {  	s4 =	simm.s32 $_scs_section_size  }
0x12: {  	s5 =	simm.s32 $_size__tile_overlayer_lowered;
	s6 =	simm.s32 $_tile_overlayer_lowered  }
0x13: {  	s23 =	simm.s32 $0x1BFF;
	s22 =	sshll.u32 s6, $0x1;
	s3 =	sadd.s32 s4, s20  }
0x14: {  	s7 =	simm.s32 $0x0;
	s21 =	sshll.u32 s5, $0x1;
	s5 =	sadd.s32 s22, s3  }
0x15: {  	[timem:s7], [sflag:s23] =	dma.local [hbm:s5], s21  }
0x16: {  	_ =	swait.ge [sflag:s23], s21  }
0x17: {  	s4 =	ssub.s32 $0x0, s21;
	[sflag:s23] =	ssyncset.done $0x0  }
0x18: {  	[sflag:s23] =	ssyncadd.s32 s4;
	_ =	sdelay $0x1  }
0x19: {  	s24 =	simm.s32 $0x1B8B  }
0x1a: {  	_ =	swait.ge [sflag:s24], $0x1  }
0x1b: {  	[sflag:s24] =	ssyncset.done $0x0  }
0x1c: {  	s26 =	simm.s32 $0x1B8E;
	s25 =	sld [smem:$0x3FFE];
	[sflag:s24] =	ssyncadd.s32 $0xFFFFFFFF  }
0x1d: {  	s27 =	simm.s32 $execute0_lowered;
	[smem:$0x3FD2] =	sst s26  }
0x1e: {  	s5 =	sshll.u32 s27, $0x1;
	_ =	strace $0x80000049;
	[dreg:$0x1] =	wrdreg $0xFFFFFFFF  }
0x1f: {  	s28 =	simm.s32 $_size_execute0_lowered;
	s3 =	sadd.s32 s3, s5;
	[dreg:$0x0] =	wrdreg $0x0  }
0x20: {  	s5 =	sshll.u32 s28, $0x1;
	[dreg:$0x2] =	wrdreg s3  }
0x21: {  	[dreg:$0x3] =	wrdreg s5  }
0x22: {  	[dreg:$0x4] =	wrdreg $0xC0  }
0x23: {  	_ =	task [dreg:s7], $0x5FFFF  }
0x24: {  	[dreg:$0x1] =	wrdreg $0xFFFFFFFF  }
0x25: {  	[dreg:$0x0] =	wrdreg $0x60  }
0x26: {  	[dreg:$0x2] =	wrdreg s25  }
0x27: {  	[dreg:$0x3] =	wrdreg s2  }
0x28: {  	[dreg:$0x4] =	wrdreg $0x9  }
0x29: {  	_ =	task.clear_ibuf [dreg:s7], $0x5FFFF;
	_ =	strace $0x90000049  }
0x2a: {  	s29 =	simm.s32 $0x9;
	_ =	strace $0x8000004B  }
0x2b: {  	_ =	swait.ge [sflag:s29], $0x1  }
0x2c: {  	[sflag:s29] =	ssyncadd.s32 $0xFFFFFFFF  }
0x2d: {  	_ =	strace $0x9000004B  }
0x2e: {  	_ =	sfence  }
0x2f: {  	s30 =	sld [smem:$0x0];
	_ =	sdelay $0x2  }
0x30: {  	s31 =	sshll.u32 s1, $0xD;
	s1 =	sshrl.u32 s1, $0x2  }
0x31: {  	s3 =	sand.u32 $0x4000, s31;
	s1 =	sadd.s32 s1, s30  }
0x32: {  	s0 =	sor.u32 s3, s0;
	s1 =	sshll.u32 s1, $0x11  }
0x33: {  	s0 =	sor.u32 s1, s0  }
0x34: {  	s0 =	sadd.s32 $0x8F2B, s0  }
0x35: {  	[sflag:s0] =	ssyncadd.remote.s32 $0x1  }
0x36: {  	_ =	sfence.sel $0xFFFF  }
0x37: {  	[dreg:$0x0] =	wrdreg $0xFFFFFFFF;
	(pc) =	sbr.abs _section_cstart, $3  }
0x38: {  	[dreg:$0x1] =	wrdreg $0xFFFFFFFF  }
0x39: {  	_ =	task.clear_ibuf [dreg:s7], $0x2FFFF;
	_ =	strace $0x9FFFFFFF  }
0x3a: {  	(tm) =	ssettm $0x7FFFFFFF  }
0x3b: {  	_ =	shalt  }
tec
execute0_lowered:
.L_overlay_start_1:
0x0: {  	(tag) =	ssettag $0x1  }
0x1: {  	s0 =	srdreg.scid  }
0x2: {  	s1 =	sshll.u32 s0, $0x4  }
0x3: {  	s4 =	rddreg [dreg:$0x0];
	s0 =	stileid.u32;
	s1 =	sand.u32 $0x10, s1  }
0x4: {  	s2 =	rddreg [dreg:$0x1];
	s7 =	simm.s32 $0x1;
	s1 =	sor.u32 s0, s1  }
0x5: {  	s8 =	simm.s32 $0x2;
	s11 =	simm.s32 $0x0;
	s3 =	sshll.u32 s1, $0x7  }
0x6: {  	s10 =	simm.s32 $0x0;
	s4 =	sadd.s32 $0x800, s4;
	s6 =	ssub.s32 $0x32000, s3  }
.Ltmp0:
0x7: {  	s1 =	rddreg [dreg:$0x2];
	s5 =	sand.u32 $0xF80, s6;
	(pc) =	sbr.rel .LBB1_1-.Ltmp0, $4  }
0x8: {  	_ =	strace $0x8000004A;
	s9 =	smov.u32 s3;
	p0 =	sne.s32 s5, $0x0  }
0x9: {  	s6 =	sshrl.u32 s6, $0xC;
	s5 =	simm.s32 $0x1;
	s7 =	simm.s32 @!p0 $0x0  }
0xa: {  	[sflag:s5] =	ssyncpa.u1 $0x0;
	p0 =	por $0x0, $0x0;
	s6 =	sadd.s32 s7, s6  }
0xb: {  	[sflag:s8] =	ssyncpa.u1 $0x0;
	s8 =	simm.s32 $0x190000;
	s7 =	sadd.s32 $0x1, s6  }
.LBB1_4:
0xc: {  	s14 =	sshll.u32 s11, $0x3  }
0xd: {  	s30 =	sand.u32 $0x7F, s11;
	s15 =	sand.u32 $0xFFFFFC00, s14  }
0xe: {  	s11 =	sor.u32 s30, s15  }
0xf: {  	s15 =	smulhi.u32 $0x51EB851F, s11  }
0x10: {  	s14 =	smulhi.u32 $0x51EB851F, s14  }
0x11: {  	s15 =	sshrl.u32 s15, $0x10  }
0x12: {  	s14 =	sshrl.u32 s14, $0x10;
	s15 =	smul.u32 $0x32000, s15  }
0x13: {  	s14 =	sand.u32 $0x3F, s14  }
0x14: {  	s14 =	smul.u32 $0x6400, s14;
	s11 =	ssub.s32 s11, s15  }
0x15: {  	[tilespmem:s13+$0x810 ss:$0x81] =	vst.msk $0xffff, v2;
	s15 =	sand.u32 $0x7, s11  }
0x16: {  	[tilespmem:s13+$0x1020 ss:$0x81] =	vst.msk $0xffff, v0;
	s14 =	sadd.s32 s2, s14;
	s11 =	sshrl.u32 s11, $0x3;
	s15 =	sshll.u32 s15, $0x12  }
0x17: {  	[tilespmem:s13+$0x0 ss:$0x81] =	vst.msk $0xffff, v1;
	s11 =	sadd.s32 s11, s14;
	s31 =	sor.u32 $0x400, s15  }
0x18: {  	[hbm4b:s11+s31] =	stream.strided.scatter [tilespmem:s12], [sflag:$0x2], $0x2000, s8, s31, $0x20;
	[tilespmem:$0x8080] =	vst v63  }
.LBB1_5:
0x19: {  	s13 =	sadd.s32 $0x1000, s9  }
0x1a: {  	p2 =	sgt.s32 s13, $0x31FFF  }
0x1b: {  	s13 =	smov.u32 @p2 s3;
	p2 =	sne.s32 s10, s7  }
.Ltmp1:
0x1c: {  	p1 =	slt.u32 s10, $0x2;
	(pc) =	sbr.rel @!p2 .LBB1_6-.Ltmp1, $4  }
0x1d: {  	s12 =	simm.s32 @!p1 $0x2  }
0x1e: {  	s14 =	sadd.s32 $0x1, s10;
	_ =	swait.ge @!p1 [sflag:s12], $0x2000  }
0x1f: {  	s11 =	smov.u32 s9;
	p0 =	por !p0, !p0;
	[sflag:s12] =	ssyncset.done @!p1 $0x0  }
0x20: {  	s10 =	smov.u32 s14;
	s9 =	smov.u32 s13;
	[sflag:s12] =	ssyncadd.s32 @!p1 $0xFFFFE000  }
.LBB1_1:
0x21: {  	p1 =	sge.u32 s10, s6  }
0x22: {  	s12 =	sand.u32 @!p1 $0x1FFFFFF, s9  }
0x23: {  	s13 =	smulhi.u32 @!p1 $0x147AE15, s12;
	_ =	sdelay $0x1  }
0x24: {  	s13 =	sshrl.u32 @!p1 s13, $0xA  }
0x25: {  	s13 =	smul.u32 @!p1 $0x32000, s13;
	_ =	sdelay $0x1  }
0x26: {  	s31 =	sadd.s32 $0xFFFFFFFF, s10;
	s14 =	sxor.u32 @!p1 $0xFFFFFFFF, s10;
	s12 =	ssub.s32 @!p1 s12, s13  }
0x27: {  	s15 =	simm.s32 @!p1 $0x80;
	s14 =	sshll.u32 @!p1 s14, $0xD;
	s12 =	sshll.u32 @!p1 s12, $0x4  }
0x28: {  	s13 =	sand.u32 @!p1 $0x2000, s14;
	s14 =	simm.s32 @!p1 $0x40;
	s12 =	sadd.s32 @!p1 s4, s12  }
0x29: {  	[tilespmem:s13], [sflag:$0x1] =	stream.strided.gather @!p1 [hbm4b:s12+s14], $0x2000, s15, s14, $0x38;
	[tilespmem:$0x8080] =	vst v63  }
0x2a: {  	p1 =	sge.u32 s31, s6  }
.Ltmp2:
0x2b: {  	_ = 	snop;
	(pc) =	sbr.rel @p1 .LBB1_5-.Ltmp2, $1  }
0x2c: {  	_ =	sdelay $0x3  }
0x2d: {  	s12 =	simm.s32 $0x1  }
0x2e: {  	_ =	swait.ge [sflag:s5], $0x2000;
	s12 =	simm.s32 @!p0 $0x0  }
0x2f: {  	[sflag:s5] =	ssyncset.done $0x0;
	s13 =	sshll.u32 s12, $0xD  }
0x30: {  	[sflag:s5] =	ssyncadd.s32 $0xFFFFE000;
	s16 =	sor.u32 $0x20, s13  }
0x31: {  	s12 =	smul.u32 $0x8100, s12;
	v3 =	vld [tilespmem:s16+$0x10]  }
0x32: {  	s30 =	sand.u32 $0x1, s10;
	v2 =	vld [tilespmem:s16+$0xFFFFFFF0]  }
0x33: {  	s13 =	smul.u32 $0x8100, s30;
	s12 =	sshrl.u32 s12, $0x2;
	v0 =	vld [tilespmem:s16+$0x0]  }
0x34: {  	v1 =	vld [tilespmem:s16+$0xFFFFFFE0];
	s14 =	sor.u32 $0x4000, s12  }
0x35: {  	s31 =	sshrl.u32 s13, $0x2;
	s13 =	sadd.s32 $0x0, s14  }
0x36: {  	s15 =	simm.s32 $0x4;
	s16 =	sadd.s32 $0x40, s16;
	s12 =	sor.u32 $0x4000, s31;
	[tilespmem:s13+$0x1830 ss:$0x81] =	vst.msk $0xffff, v3  }
.LBB1_3:
0x37: {  	v3 =	vld [tilespmem:s16+$0x10];
	p1 =	sne.s32 s15, $0x1FC;
	[tilespmem:s13+$0x810 ss:$0x81] =	vst.msk $0xffff, v2;
	s17 =	smov.u32 s15;
	s15 =	sadd.s32 $0x4, s15  }
.Ltmp3:
0x38: {  	v2 =	vld [tilespmem:s16+$0xFFFFFFF0];
	[tilespmem:s13+$0x1020 ss:$0x81] =	vst.msk $0xffff, v0;
	(pc) =	sbr.rel @p1 .LBB1_3-.Ltmp3, $4  }
0x39: {  	v0 =	vld [tilespmem:s16+$0x0];
	[tilespmem:s13+$0x0 ss:$0x81] =	vst.msk $0xffff, v1  }
0x3a: {  	s13 =	sshra.s32 s17, $0x2;
	v1 =	vld [tilespmem:s16+$0xFFFFFFE0]  }
0x3b: {  	s13 =	sadd.s32 s13, s14  }
0x3c: {  	s16 =	sadd.s32 $0x40, s16;
	[tilespmem:s13+$0x1830 ss:$0x81] =	vst.msk $0xffff, v3  }
.Ltmp4:
0x3d: {  	_ = 	snop;
	(pc) =	sbr.rel .LBB1_4-.Ltmp4, $1  }
0x3e: {  	_ =	sdelay $0x3  }
.LBB1_6:
0x3f: {  	_ =	sfence.sel $0x180000  }
0x40: {  	s2 =	simm.s32 $0x1;
	[bflag:$0x0] =	sbarrier.arrive $0xFFFF  }
0x41: {  	s31 =	simm.s32 $0x2;
	[sflag:s2] =	ssyncpa.u1 $0x1  }
0x42: {  	[sflag:s31] =	ssyncpa.u1 $0x1  }
0x43: {  	p0 =	sne.s32 s0, $0x0;
	_ =	strace $0x9000004A  }
0x44: {  	s0 =	sadd.s32 @!p0 $0x100000, s1;
	[bflag:$0x2] =	sbarrier.arrive $0xFFFF  }
0x45: {  	[sflag:s0] =	ssyncadd.tile.s32 @!p0 $0x1;
	_ =	shalt  }
.Lfunc_end1:
_tile_overlayer_lowered:
.L_overlay_start_2:
0x46: {  	(tag) =	ssettag $0x2  }
0x47: {  	s0 =	rddreg [dreg:$0x0];
	s2 =	stileid.u32  }
0x48: {  	s1 =	rddreg [dreg:$0x1];
	p0 =	sne.s32 s2, $0x0  }
0x49: {  	s3 =	rddreg [dreg:$0x2];
	[bflag:$0x3] =	sbarrier.arrive $0xFFFF;
	s2 =	simm.s32 @!p0 $0x1C01  }
0x4a: {  	[timem:s3], [sflag:s2] =	dma.local @!p0 [hbm:s0], s1  }
0x4b: {  	s0 =	simm.s32 @!p0 $0x1  }
0x4c: {  	_ =	swait.ge @!p0 [sflag:s0], s1  }
0x4d: {  	s1 =	ssub.s32 @!p0 $0x0, s1;
	[sflag:s0] =	ssyncset.done @!p0 $0x0  }
0x4e: {  	[sflag:s0] =	ssyncadd.s32 @!p0 s1  }
0x4f: {  	[bflag:$0x3] =	sbarrier.arrive $0xFFFF  }
0x50: {  	_ =	shalt  }

</sc_bundles>
